<compile_context>
chip_gen: v7x
topology: tpu7x:2x2x1
jax: 0.10.2.dev20260603
libtpu: 0.0.44.dev20260713+nightly
codegen_flags: <defaults>
</compile_context>

<pallas_src>
import functools

import jax
import jax.numpy as jnp
from jax import lax
from jax.experimental import pallas as pl
from jax.experimental.pallas import tpu as pltpu
from jax.experimental.pallas import tpu_sc as plsc

BATCH = 16384
SEQ = 50
DIM = 128
B = BATCH * SEQ

CHUNK = 128
NBUF = 5
LOOK = 3


@functools.lru_cache(maxsize=None)
def _build():
    info = plsc.get_sparse_core_info()
    nc, ns = info.num_cores, info.num_subcores
    nw = nc * ns
    b_per_w = B // nw
    chunks = b_per_w // CHUNK
    assert (chunks - NBUF) % NBUF == 0 and LOOK < NBUF

    mesh = plsc.VectorSubcoreMesh(core_axis_name="c", subcore_axis_name="s")

    @functools.partial(
        pl.kernel,
        out_type=jax.ShapeDtypeStruct((B // CHUNK, CHUNK, DIM), jnp.float32),
        mesh=mesh,
        scratch_types=[
            pltpu.VMEM((chunks, CHUNK), jnp.int32),
            [pltpu.VMEM((CHUNK, DIM), jnp.float32)] * NBUF,
            [pltpu.SemaphoreType.DMA] * NBUF,
            [pltpu.SemaphoreType.DMA] * NBUF,
        ],
    )
    def emb_kernel(idx_hbm, table_hbm, out_hbm, idx_v, rows, gsems, wsems):
        wid = lax.axis_index("s") * nc + lax.axis_index("c")
        pltpu.sync_copy(idx_hbm.at[pl.ds(wid * chunks, chunks)], idx_v)

        def start_gather(g, b):
            pltpu.async_copy(table_hbm.at[idx_v.at[g]], rows[b], gsems[b])

        def wait_gather(g, b):
            pltpu.make_async_copy(table_hbm.at[idx_v.at[g]], rows[b],
                                  gsems[b]).wait()

        def start_wb(g, b):
            pltpu.async_copy(rows[b], out_hbm.at[wid * chunks + g], wsems[b])

        def wait_wb(g, b):
            pltpu.make_async_copy(rows[b], out_hbm.at[wid * chunks + g],
                                  wsems[b]).wait()

        for g in range(LOOK):
            start_gather(g, g % NBUF)

        for g in range(NBUF - LOOK):
            start_gather(g + LOOK, (g + LOOK) % NBUF)
            wait_gather(g, g % NBUF)
            start_wb(g, g % NBUF)

        def body(outer):
            for d in range(NBUF):
                g = outer + d
                bf = (NBUF - LOOK + LOOK + d) % NBUF
                b = (NBUF - LOOK + d) % NBUF
                wait_wb(g + LOOK - NBUF, bf)
                start_gather(g + LOOK, bf)
                wait_gather(g, b)
                start_wb(g, b)

        pl.loop(NBUF - LOOK, chunks - LOOK, step=NBUF)(body)

        for g in range(chunks - LOOK, chunks):
            wait_gather(g, g % NBUF)
            start_wb(g, g % NBUF)

        for g in range(chunks - NBUF, chunks):
            wait_wb(g, g % NBUF)

    return emb_kernel


def kernel(x, table):
    idx = jnp.swapaxes(x, 0, 1).reshape(B // CHUNK, CHUNK)
    out = _build()(idx, table)
    return jnp.swapaxes(out.reshape(SEQ, BATCH, DIM), 0, 1)

# --- scband reference (transcript-rebuilt; emitter-appended) ---
"""Pipeline reference for scband-text-embeddings-37460704756180 (READ-ONLY COPY).

The authoritative reference and input builder live on the scoring server;
editing this copy changes nothing except your own understanding.
"""

import jax, jax.numpy as jnp
import numpy as np

VOCAB = 1000000
DIM = 128
BATCH = 16384
SEQ = 50


def setup_inputs(seed: int = 0) -> dict:
    key = jax.random.key(seed)
    k1, k2 = jax.random.split(key)
    x = jax.random.randint(k1, (BATCH, SEQ), 0, VOCAB, dtype=jnp.int32)
    table = jax.random.normal(k2, (VOCAB, DIM), dtype=jnp.float32)
    # nn.Embedding(padding_idx=0): row 0 is zero
    table = table.at[0].set(0.0)
    return {"x": x, "table": table}


def reference(x, table):
    # TextEmbeddings.forward: embeddings_table(x)
    return jnp.take(table, x, axis=0)

if __name__ == "__main__":
    import jax
    _d = setup_inputs()
    print(jax.jit(kernel)(*tuple(_d.values())))

</pallas_src>

<mosaic_0001>
#map = affine_map<(d0, d1) -> (0, 0)>
#map1 = affine_map<(d0, d1) -> (0, 0, 0)>
module attributes {stable_mosaic.version = 14 : i64} {
  func.func @emb_kernel(%arg0: i32, %arg1: i32, %arg2: memref<6400x128xi32, #tpu.memory_space<hbm>>, %arg3: memref<1000000x128xf32, #tpu.memory_space<hbm>>, %arg4: memref<6400x128x128xf32, #tpu.memory_space<hbm>>, %arg5: memref<200x128xi32, #tpu.memory_space<vmem>>, %arg6: memref<128x128xf32, #tpu.memory_space<vmem>>, %arg7: memref<128x128xf32, #tpu.memory_space<vmem>>, %arg8: memref<128x128xf32, #tpu.memory_space<vmem>>, %arg9: memref<128x128xf32, #tpu.memory_space<vmem>>, %arg10: memref<128x128xf32, #tpu.memory_space<vmem>>, %arg11: memref<!tpu.dma_semaphore, #tpu.memory_space<semaphore_mem>>, %arg12: memref<!tpu.dma_semaphore, #tpu.memory_space<semaphore_mem>>, %arg13: memref<!tpu.dma_semaphore, #tpu.memory_space<semaphore_mem>>, %arg14: memref<!tpu.dma_semaphore, #tpu.memory_space<semaphore_mem>>, %arg15: memref<!tpu.dma_semaphore, #tpu.memory_space<semaphore_mem>>, %arg16: memref<!tpu.dma_semaphore, #tpu.memory_space<semaphore_mem>>, %arg17: memref<!tpu.dma_semaphore, #tpu.memory_space<semaphore_mem>>, %arg18: memref<!tpu.dma_semaphore, #tpu.memory_space<semaphore_mem>>, %arg19: memref<!tpu.dma_semaphore, #tpu.memory_space<semaphore_mem>>, %arg20: memref<!tpu.dma_semaphore, #tpu.memory_space<semaphore_mem>>) attributes {dimension_semantics = [#tpu.dimension_semantics<core_parallel>, #tpu.dimension_semantics<subcore_parallel>], iteration_bounds = array<i64: 2, 16>, scalar_prefetch = 0 : i64, scratch_operands = 16 : i64, tpu.core_type = #tpu.core_type<sc_vector_subcore>, window_params = [{transform_indices = #map}, {transform_indices = #map}, {transform_indices = #map1}]} {
    %mul3A = arith.constant 2 : i32
    %mul3A_0 = arith.muli %arg1, %mul3A : i32
    %add3A = arith.addi %mul3A_0, %arg0 : i32
    %mul3A_1 = arith.constant 200 : i32
    %mul3A_2 = arith.muli %add3A, %mul3A_1 : i32
    "tpu.region"() ({
      %run_scoped3A = tpu.sem_alloc : memref<!tpu.dma_semaphore, #tpu.memory_space<semaphore_mem>>
      %dma_start3A_195 = arith.constant 0 : i32
      %dma_start3A_196 = tpu.memref_slice %arg2[%mul3A_2, %dma_start3A_195] : memref<6400x128xi32, #tpu.memory_space<hbm>> -> memref<200x128xi32, #tpu.memory_space<hbm>>
      %dma_start3A_197 = arith.constant 0 : i32
      %dma_start3A_198 = tpu.memref_slice %arg2[%mul3A_2, %dma_start3A_197] : memref<6400x128xi32, #tpu.memory_space<hbm>> -> memref<200x128xi32, #tpu.memory_space<hbm>>
      tpu.enqueue_dma source(%dma_start3A_198 : memref<200x128xi32, #tpu.memory_space<hbm>>) target(%arg5 : memref<200x128xi32, #tpu.memory_space<vmem>>) target_semaphore(%run_scoped3A : memref<!tpu.dma_semaphore, #tpu.memory_space<semaphore_mem>>)
      %dma_wait3A_199 = arith.constant 0 : i32
      %dma_wait3A_200 = tpu.memref_slice %arg2[%mul3A_2, %dma_wait3A_199] : memref<6400x128xi32, #tpu.memory_space<hbm>> -> memref<200x128xi32, #tpu.memory_space<hbm>>
      %dma_wait3A_201 = arith.constant 0 : i32
      %dma_wait3A_202 = tpu.memref_slice %arg2[%mul3A_2, %dma_wait3A_201] : memref<6400x128xi32, #tpu.memory_space<hbm>> -> memref<200x128xi32, #tpu.memory_space<hbm>>
      tpu.wait_dma2 semaphore(%run_scoped3A : memref<!tpu.dma_semaphore, #tpu.memory_space<semaphore_mem>>) src(%dma_wait3A_202 : memref<200x128xi32, #tpu.memory_space<hbm>>) dst(%arg5 : memref<200x128xi32, #tpu.memory_space<vmem>>)
      tpu.yield
    }) : () -> ()
    %dma_start3A = arith.constant 0 : i32
    %dma_start3A_3 = arith.constant 0 : i32
    %dma_start3A_4 = tpu.memref_slice %arg5[%dma_start3A, %dma_start3A_3] : memref<200x128xi32, #tpu.memory_space<vmem>> -> memref<1x128xi32, #tpu.memory_space<vmem>>
    %dma_start3A_5 = tpu.memref_squeeze %dma_start3A_4 : memref<1x128xi32, #tpu.memory_space<vmem>> -> memref<128xi32, #tpu.memory_space<vmem>>
    %dma_start3A_6 = arith.constant 0 : i32
    %dma_start3A_7 = arith.constant 0 : i32
    %dma_start3A_8 = tpu.memref_slice %arg3[%dma_start3A_6, %dma_start3A_7] : memref<1000000x128xf32, #tpu.memory_space<hbm>> -> memref<1000000x128xf32, #tpu.memory_space<hbm>>
    tpu.enqueue_indirect_dma source(%dma_start3A_8 : memref<1000000x128xf32, #tpu.memory_space<hbm>>) target(%arg6 : memref<128x128xf32, #tpu.memory_space<vmem>>) offsets(%dma_start3A_5 : memref<128xi32, #tpu.memory_space<vmem>>) semaphore(%arg11 : memref<!tpu.dma_semaphore, #tpu.memory_space<semaphore_mem>>)
    %dma_start3A_9 = arith.constant 1 : i32
    %dma_start3A_10 = arith.constant 0 : i32
    %dma_start3A_11 = tpu.memref_slice %arg5[%dma_start3A_9, %dma_start3A_10] : memref<200x128xi32, #tpu.memory_space<vmem>> -> memref<1x128xi32, #tpu.memory_space<vmem>>
    %dma_start3A_12 = tpu.memref_squeeze %dma_start3A_11 : memref<1x128xi32, #tpu.memory_space<vmem>> -> memref<128xi32, #tpu.memory_space<vmem>>
    %dma_start3A_13 = arith.constant 0 : i32
    %dma_start3A_14 = arith.constant 0 : i32
    %dma_start3A_15 = tpu.memref_slice %arg3[%dma_start3A_13, %dma_start3A_14] : memref<1000000x128xf32, #tpu.memory_space<hbm>> -> memref<1000000x128xf32, #tpu.memory_space<hbm>>
    tpu.enqueue_indirect_dma source(%dma_start3A_15 : memref<1000000x128xf32, #tpu.memory_space<hbm>>) target(%arg7 : memref<128x128xf32, #tpu.memory_space<vmem>>) offsets(%dma_start3A_12 : memref<128xi32, #tpu.memory_space<vmem>>) semaphore(%arg12 : memref<!tpu.dma_semaphore, #tpu.memory_space<semaphore_mem>>)
    %dma_start3A_16 = arith.constant 2 : i32
    %dma_start3A_17 = arith.constant 0 : i32
    %dma_start3A_18 = tpu.memref_slice %arg5[%dma_start3A_16, %dma_start3A_17] : memref<200x128xi32, #tpu.memory_space<vmem>> -> memref<1x128xi32, #tpu.memory_space<vmem>>
    %dma_start3A_19 = tpu.memref_squeeze %dma_start3A_18 : memref<1x128xi32, #tpu.memory_space<vmem>> -> memref<128xi32, #tpu.memory_space<vmem>>
    %dma_start3A_20 = arith.constant 0 : i32
    %dma_start3A_21 = arith.constant 0 : i32
    %dma_start3A_22 = tpu.memref_slice %arg3[%dma_start3A_20, %dma_start3A_21] : memref<1000000x128xf32, #tpu.memory_space<hbm>> -> memref<1000000x128xf32, #tpu.memory_space<hbm>>
    tpu.enqueue_indirect_dma source(%dma_start3A_22 : memref<1000000x128xf32, #tpu.memory_space<hbm>>) target(%arg8 : memref<128x128xf32, #tpu.memory_space<vmem>>) offsets(%dma_start3A_19 : memref<128xi32, #tpu.memory_space<vmem>>) semaphore(%arg13 : memref<!tpu.dma_semaphore, #tpu.memory_space<semaphore_mem>>)
    %dma_start3A_23 = arith.constant 3 : i32
    %dma_start3A_24 = arith.constant 0 : i32
    %dma_start3A_25 = tpu.memref_slice %arg5[%dma_start3A_23, %dma_start3A_24] : memref<200x128xi32, #tpu.memory_space<vmem>> -> memref<1x128xi32, #tpu.memory_space<vmem>>
    %dma_start3A_26 = tpu.memref_squeeze %dma_start3A_25 : memref<1x128xi32, #tpu.memory_space<vmem>> -> memref<128xi32, #tpu.memory_space<vmem>>
    %dma_start3A_27 = arith.constant 0 : i32
    %dma_start3A_28 = arith.constant 0 : i32
    %dma_start3A_29 = tpu.memref_slice %arg3[%dma_start3A_27, %dma_start3A_28] : memref<1000000x128xf32, #tpu.memory_space<hbm>> -> memref<1000000x128xf32, #tpu.memory_space<hbm>>
    tpu.enqueue_indirect_dma source(%dma_start3A_29 : memref<1000000x128xf32, #tpu.memory_space<hbm>>) target(%arg9 : memref<128x128xf32, #tpu.memory_space<vmem>>) offsets(%dma_start3A_26 : memref<128xi32, #tpu.memory_space<vmem>>) semaphore(%arg14 : memref<!tpu.dma_semaphore, #tpu.memory_space<semaphore_mem>>)
    %dma_wait3A = arith.constant 0 : i32
    %dma_wait3A_30 = arith.constant 0 : i32
    %dma_wait3A_31 = tpu.memref_slice %arg5[%dma_wait3A, %dma_wait3A_30] : memref<200x128xi32, #tpu.memory_space<vmem>> -> memref<1x128xi32, #tpu.memory_space<vmem>>
    %dma_wait3A_32 = tpu.memref_squeeze %dma_wait3A_31 : memref<1x128xi32, #tpu.memory_space<vmem>> -> memref<128xi32, #tpu.memory_space<vmem>>
    %dma_wait3A_33 = arith.constant 0 : i32
    %dma_wait3A_34 = arith.constant 0 : i32
    %dma_wait3A_35 = tpu.memref_slice %arg3[%dma_wait3A_33, %dma_wait3A_34] : memref<1000000x128xf32, #tpu.memory_space<hbm>> -> memref<1000000x128xf32, #tpu.memory_space<hbm>>
    tpu.wait_indirect_dma semaphore(%arg11 : memref<!tpu.dma_semaphore, #tpu.memory_space<semaphore_mem>>) src(%dma_wait3A_35 : memref<1000000x128xf32, #tpu.memory_space<hbm>>) dst(%arg6 : memref<128x128xf32, #tpu.memory_space<vmem>>)
    %mul3A_36 = arith.constant 200 : i32
    %mul3A_37 = arith.muli %add3A, %mul3A_36 : i32
    %add3A_38 = arith.constant 0 : i32
    %add3A_39 = arith.addi %mul3A_37, %add3A_38 : i32
    %dma_start3A_40 = arith.constant 0 : i32
    %dma_start3A_41 = arith.constant 0 : i32
    %dma_start3A_42 = tpu.memref_slice %arg4[%add3A_39, %dma_start3A_40, %dma_start3A_41] : memref<6400x128x128xf32, #tpu.memory_space<hbm>> -> memref<1x128x128xf32, #tpu.memory_space<hbm>>
    %dma_start3A_43 = tpu.memref_squeeze %dma_start3A_42 : memref<1x128x128xf32, #tpu.memory_space<hbm>> -> memref<128x128xf32, #tpu.memory_space<hbm>>
    %dma_start3A_44 = arith.constant 0 : i32
    %dma_start3A_45 = arith.constant 0 : i32
    %dma_start3A_46 = tpu.memref_slice %arg4[%add3A_39, %dma_start3A_44, %dma_start3A_45] : memref<6400x128x128xf32, #tpu.memory_space<hbm>> -> memref<1x128x128xf32, #tpu.memory_space<hbm>>
    %dma_start3A_47 = tpu.memref_squeeze %dma_start3A_46 : memref<1x128x128xf32, #tpu.memory_space<hbm>> -> memref<128x128xf32, #tpu.memory_space<hbm>>
    tpu.enqueue_dma source(%arg6 : memref<128x128xf32, #tpu.memory_space<vmem>>) target(%dma_start3A_47 : memref<128x128xf32, #tpu.memory_space<hbm>>) target_semaphore(%arg16 : memref<!tpu.dma_semaphore, #tpu.memory_space<semaphore_mem>>)
    %dma_start3A_48 = arith.constant 4 : i32
    %dma_start3A_49 = arith.constant 0 : i32
    %dma_start3A_50 = tpu.memref_slice %arg5[%dma_start3A_48, %dma_start3A_49] : memref<200x128xi32, #tpu.memory_space<vmem>> -> memref<1x128xi32, #tpu.memory_space<vmem>>
    %dma_start3A_51 = tpu.memref_squeeze %dma_start3A_50 : memref<1x128xi32, #tpu.memory_space<vmem>> -> memref<128xi32, #tpu.memory_space<vmem>>
    %dma_start3A_52 = arith.constant 0 : i32
    %dma_start3A_53 = arith.constant 0 : i32
    %dma_start3A_54 = tpu.memref_slice %arg3[%dma_start3A_52, %dma_start3A_53] : memref<1000000x128xf32, #tpu.memory_space<hbm>> -> memref<1000000x128xf32, #tpu.memory_space<hbm>>
    tpu.enqueue_indirect_dma source(%dma_start3A_54 : memref<1000000x128xf32, #tpu.memory_space<hbm>>) target(%arg10 : memref<128x128xf32, #tpu.memory_space<vmem>>) offsets(%dma_start3A_51 : memref<128xi32, #tpu.memory_space<vmem>>) semaphore(%arg15 : memref<!tpu.dma_semaphore, #tpu.memory_space<semaphore_mem>>)
    %dma_wait3A_55 = arith.constant 1 : i32
    %dma_wait3A_56 = arith.constant 0 : i32
    %dma_wait3A_57 = tpu.memref_slice %arg5[%dma_wait3A_55, %dma_wait3A_56] : memref<200x128xi32, #tpu.memory_space<vmem>> -> memref<1x128xi32, #tpu.memory_space<vmem>>
    %dma_wait3A_58 = tpu.memref_squeeze %dma_wait3A_57 : memref<1x128xi32, #tpu.memory_space<vmem>> -> memref<128xi32, #tpu.memory_space<vmem>>
    %dma_wait3A_59 = arith.constant 0 : i32
    %dma_wait3A_60 = arith.constant 0 : i32
    %dma_wait3A_61 = tpu.memref_slice %arg3[%dma_wait3A_59, %dma_wait3A_60] : memref<1000000x128xf32, #tpu.memory_space<hbm>> -> memref<1000000x128xf32, #tpu.memory_space<hbm>>
    tpu.wait_indirect_dma semaphore(%arg12 : memref<!tpu.dma_semaphore, #tpu.memory_space<semaphore_mem>>) src(%dma_wait3A_61 : memref<1000000x128xf32, #tpu.memory_space<hbm>>) dst(%arg7 : memref<128x128xf32, #tpu.memory_space<vmem>>)
    %mul3A_62 = arith.constant 200 : i32
    %mul3A_63 = arith.muli %add3A, %mul3A_62 : i32
    %add3A_64 = arith.constant 1 : i32
    %add3A_65 = arith.addi %mul3A_63, %add3A_64 : i32
    %dma_start3A_66 = arith.constant 0 : i32
    %dma_start3A_67 = arith.constant 0 : i32
    %dma_start3A_68 = tpu.memref_slice %arg4[%add3A_65, %dma_start3A_66, %dma_start3A_67] : memref<6400x128x128xf32, #tpu.memory_space<hbm>> -> memref<1x128x128xf32, #tpu.memory_space<hbm>>
    %dma_start3A_69 = tpu.memref_squeeze %dma_start3A_68 : memref<1x128x128xf32, #tpu.memory_space<hbm>> -> memref<128x128xf32, #tpu.memory_space<hbm>>
    %dma_start3A_70 = arith.constant 0 : i32
    %dma_start3A_71 = arith.constant 0 : i32
    %dma_start3A_72 = tpu.memref_slice %arg4[%add3A_65, %dma_start3A_70, %dma_start3A_71] : memref<6400x128x128xf32, #tpu.memory_space<hbm>> -> memref<1x128x128xf32, #tpu.memory_space<hbm>>
    %dma_start3A_73 = tpu.memref_squeeze %dma_start3A_72 : memref<1x128x128xf32, #tpu.memory_space<hbm>> -> memref<128x128xf32, #tpu.memory_space<hbm>>
    tpu.enqueue_dma source(%arg7 : memref<128x128xf32, #tpu.memory_space<vmem>>) target(%dma_start3A_73 : memref<128x128xf32, #tpu.memory_space<hbm>>) target_semaphore(%arg17 : memref<!tpu.dma_semaphore, #tpu.memory_space<semaphore_mem>>)
    %scan3A = arith.constant 0 : i32
    %scan3A_74 = arith.constant 39 : i32
    %scan3A_75 = arith.addi %scan3A, %scan3A_74 : i32
    %scan3A_76 = arith.constant 1 : i32
    scf.for %scan3A_195 = %scan3A to %scan3A_75 step %scan3A_76  : i32 {
      %mul3A_196 = arith.constant 5 : i32
      %mul3A_197 = arith.muli %scan3A_195, %mul3A_196 : i32
      %add3A_198 = arith.constant 2 : i32
      %add3A_199 = arith.addi %add3A_198, %mul3A_197 : i32
      %add3A_200 = arith.constant 0 : i32
      %add3A_201 = arith.addi %add3A_199, %add3A_200 : i32
      %add3A_202 = arith.constant 3 : i32
      %add3A_203 = arith.addi %add3A_201, %add3A_202 : i32
      %sub3A = arith.constant 5 : i32
      %sub3A_204 = arith.subi %add3A_203, %sub3A : i32
      %mul3A_205 = arith.constant 200 : i32
      %mul3A_206 = arith.muli %add3A, %mul3A_205 : i32
      %add3A_207 = arith.addi %mul3A_206, %sub3A_204 : i32
      %dma_wait3A_208 = arith.constant 0 : i32
      %dma_wait3A_209 = arith.constant 0 : i32
      %dma_wait3A_210 = tpu.memref_slice %arg4[%add3A_207, %dma_wait3A_208, %dma_wait3A_209] : memref<6400x128x128xf32, #tpu.memory_space<hbm>> -> memref<1x128x128xf32, #tpu.memory_space<hbm>>
      %dma_wait3A_211 = tpu.memref_squeeze %dma_wait3A_210 : memref<1x128x128xf32, #tpu.memory_space<hbm>> -> memref<128x128xf32, #tpu.memory_space<hbm>>
      %dma_wait3A_212 = arith.constant 0 : i32
      %dma_wait3A_213 = arith.constant 0 : i32
      %dma_wait3A_214 = tpu.memref_slice %arg4[%add3A_207, %dma_wait3A_212, %dma_wait3A_213] : memref<6400x128x128xf32, #tpu.memory_space<hbm>> -> memref<1x128x128xf32, #tpu.memory_space<hbm>>
      %dma_wait3A_215 = tpu.memref_squeeze %dma_wait3A_214 : memref<1x128x128xf32, #tpu.memory_space<hbm>> -> memref<128x128xf32, #tpu.memory_space<hbm>>
      tpu.wait_dma2 semaphore(%arg16 : memref<!tpu.dma_semaphore, #tpu.memory_space<semaphore_mem>>) src(%arg6 : memref<128x128xf32, #tpu.memory_space<vmem>>) dst(%dma_wait3A_215 : memref<128x128xf32, #tpu.memory_space<hbm>>)
      %add3A_216 = arith.constant 3 : i32
      %add3A_217 = arith.addi %add3A_201, %add3A_216 : i32
      %dma_start3A_218 = arith.constant 0 : i32
      %dma_start3A_219 = tpu.memref_slice %arg5[%add3A_217, %dma_start3A_218] : memref<200x128xi32, #tpu.memory_space<vmem>> -> memref<1x128xi32, #tpu.memory_space<vmem>>
      %dma_start3A_220 = tpu.memref_squeeze %dma_start3A_219 : memref<1x128xi32, #tpu.memory_space<vmem>> -> memref<128xi32, #tpu.memory_space<vmem>>
      %dma_start3A_221 = arith.constant 0 : i32
      %dma_start3A_222 = arith.constant 0 : i32
      %dma_start3A_223 = tpu.memref_slice %arg3[%dma_start3A_221, %dma_start3A_222] : memref<1000000x128xf32, #tpu.memory_space<hbm>> -> memref<1000000x128xf32, #tpu.memory_space<hbm>>
      tpu.enqueue_indirect_dma source(%dma_start3A_223 : memref<1000000x128xf32, #tpu.memory_space<hbm>>) target(%arg6 : memref<128x128xf32, #tpu.memory_space<vmem>>) offsets(%dma_start3A_220 : memref<128xi32, #tpu.memory_space<vmem>>) semaphore(%arg11 : memref<!tpu.dma_semaphore, #tpu.memory_space<semaphore_mem>>)
      %dma_wait3A_224 = arith.constant 0 : i32
      %dma_wait3A_225 = tpu.memref_slice %arg5[%add3A_201, %dma_wait3A_224] : memref<200x128xi32, #tpu.memory_space<vmem>> -> memref<1x128xi32, #tpu.memory_space<vmem>>
      %dma_wait3A_226 = tpu.memref_squeeze %dma_wait3A_225 : memref<1x128xi32, #tpu.memory_space<vmem>> -> memref<128xi32, #tpu.memory_space<vmem>>
      %dma_wait3A_227 = arith.constant 0 : i32
      %dma_wait3A_228 = arith.constant 0 : i32
      %dma_wait3A_229 = tpu.memref_slice %arg3[%dma_wait3A_227, %dma_wait3A_228] : memref<1000000x128xf32, #tpu.memory_space<hbm>> -> memref<1000000x128xf32, #tpu.memory_space<hbm>>
      tpu.wait_indirect_dma semaphore(%arg13 : memref<!tpu.dma_semaphore, #tpu.memory_space<semaphore_mem>>) src(%dma_wait3A_229 : memref<1000000x128xf32, #tpu.memory_space<hbm>>) dst(%arg8 : memref<128x128xf32, #tpu.memory_space<vmem>>)
      %mul3A_230 = arith.constant 200 : i32
      %mul3A_231 = arith.muli %add3A, %mul3A_230 : i32
      %add3A_232 = arith.addi %mul3A_231, %add3A_201 : i32
      %dma_start3A_233 = arith.constant 0 : i32
      %dma_start3A_234 = arith.constant 0 : i32
      %dma_start3A_235 = tpu.memref_slice %arg4[%add3A_232, %dma_start3A_233, %dma_start3A_234] : memref<6400x128x128xf32, #tpu.memory_space<hbm>> -> memref<1x128x128xf32, #tpu.memory_space<hbm>>
      %dma_start3A_236 = tpu.memref_squeeze %dma_start3A_235 : memref<1x128x128xf32, #tpu.memory_space<hbm>> -> memref<128x128xf32, #tpu.memory_space<hbm>>
      %dma_start3A_237 = arith.constant 0 : i32
      %dma_start3A_238 = arith.constant 0 : i32
      %dma_start3A_239 = tpu.memref_slice %arg4[%add3A_232, %dma_start3A_237, %dma_start3A_238] : memref<6400x128x128xf32, #tpu.memory_space<hbm>> -> memref<1x128x128xf32, #tpu.memory_space<hbm>>
      %dma_start3A_240 = tpu.memref_squeeze %dma_start3A_239 : memref<1x128x128xf32, #tpu.memory_space<hbm>> -> memref<128x128xf32, #tpu.memory_space<hbm>>
      tpu.enqueue_dma source(%arg8 : memref<128x128xf32, #tpu.memory_space<vmem>>) target(%dma_start3A_240 : memref<128x128xf32, #tpu.memory_space<hbm>>) target_semaphore(%arg18 : memref<!tpu.dma_semaphore, #tpu.memory_space<semaphore_mem>>)
      %add3A_241 = arith.constant 1 : i32
      %add3A_242 = arith.addi %add3A_199, %add3A_241 : i32
      %add3A_243 = arith.constant 3 : i32
      %add3A_244 = arith.addi %add3A_242, %add3A_243 : i32
      %sub3A_245 = arith.constant 5 : i32
      %sub3A_246 = arith.subi %add3A_244, %sub3A_245 : i32
      %mul3A_247 = arith.constant 200 : i32
      %mul3A_248 = arith.muli %add3A, %mul3A_247 : i32
      %add3A_249 = arith.addi %mul3A_248, %sub3A_246 : i32
      %dma_wait3A_250 = arith.constant 0 : i32
      %dma_wait3A_251 = arith.constant 0 : i32
      %dma_wait3A_252 = tpu.memref_slice %arg4[%add3A_249, %dma_wait3A_250, %dma_wait3A_251] : memref<6400x128x128xf32, #tpu.memory_space<hbm>> -> memref<1x128x128xf32, #tpu.memory_space<hbm>>
      %dma_wait3A_253 = tpu.memref_squeeze %dma_wait3A_252 : memref<1x128x128xf32, #tpu.memory_space<hbm>> -> memref<128x128xf32, #tpu.memory_space<hbm>>
      %dma_wait3A_254 = arith.constant 0 : i32
      %dma_wait3A_255 = arith.constant 0 : i32
      %dma_wait3A_256 = tpu.memref_slice %arg4[%add3A_249, %dma_wait3A_254, %dma_wait3A_255] : memref<6400x128x128xf32, #tpu.memory_space<hbm>> -> memref<1x128x128xf32, #tpu.memory_space<hbm>>
      %dma_wait3A_257 = tpu.memref_squeeze %dma_wait3A_256 : memref<1x128x128xf32, #tpu.memory_space<hbm>> -> memref<128x128xf32, #tpu.memory_space<hbm>>
      tpu.wait_dma2 semaphore(%arg17 : memref<!tpu.dma_semaphore, #tpu.memory_space<semaphore_mem>>) src(%arg7 : memref<128x128xf32, #tpu.memory_space<vmem>>) dst(%dma_wait3A_257 : memref<128x128xf32, #tpu.memory_space<hbm>>)
      %add3A_258 = arith.constant 3 : i32
      %add3A_259 = arith.addi %add3A_242, %add3A_258 : i32
      %dma_start3A_260 = arith.constant 0 : i32
      %dma_start3A_261 = tpu.memref_slice %arg5[%add3A_259, %dma_start3A_260] : memref<200x128xi32, #tpu.memory_space<vmem>> -> memref<1x128xi32, #tpu.memory_space<vmem>>
      %dma_start3A_262 = tpu.memref_squeeze %dma_start3A_261 : memref<1x128xi32, #tpu.memory_space<vmem>> -> memref<128xi32, #tpu.memory_space<vmem>>
      %dma_start3A_263 = arith.constant 0 : i32
      %dma_start3A_264 = arith.constant 0 : i32
      %dma_start3A_265 = tpu.memref_slice %arg3[%dma_start3A_263, %dma_start3A_264] : memref<1000000x128xf32, #tpu.memory_space<hbm>> -> memref<1000000x128xf32, #tpu.memory_space<hbm>>
      tpu.enqueue_indirect_dma source(%dma_start3A_265 : memref<1000000x128xf32, #tpu.memory_space<hbm>>) target(%arg7 : memref<128x128xf32, #tpu.memory_space<vmem>>) offsets(%dma_start3A_262 : memref<128xi32, #tpu.memory_space<vmem>>) semaphore(%arg12 : memref<!tpu.dma_semaphore, #tpu.memory_space<semaphore_mem>>)
      %dma_wait3A_266 = arith.constant 0 : i32
      %dma_wait3A_267 = tpu.memref_slice %arg5[%add3A_242, %dma_wait3A_266] : memref<200x128xi32, #tpu.memory_space<vmem>> -> memref<1x128xi32, #tpu.memory_space<vmem>>
      %dma_wait3A_268 = tpu.memref_squeeze %dma_wait3A_267 : memref<1x128xi32, #tpu.memory_space<vmem>> -> memref<128xi32, #tpu.memory_space<vmem>>
      %dma_wait3A_269 = arith.constant 0 : i32
      %dma_wait3A_270 = arith.constant 0 : i32
      %dma_wait3A_271 = tpu.memref_slice %arg3[%dma_wait3A_269, %dma_wait3A_270] : memref<1000000x128xf32, #tpu.memory_space<hbm>> -> memref<1000000x128xf32, #tpu.memory_space<hbm>>
      tpu.wait_indirect_dma semaphore(%arg14 : memref<!tpu.dma_semaphore, #tpu.memory_space<semaphore_mem>>) src(%dma_wait3A_271 : memref<1000000x128xf32, #tpu.memory_space<hbm>>) dst(%arg9 : memref<128x128xf32, #tpu.memory_space<vmem>>)
      %mul3A_272 = arith.constant 200 : i32
      %mul3A_273 = arith.muli %add3A, %mul3A_272 : i32
      %add3A_274 = arith.addi %mul3A_273, %add3A_242 : i32
      %dma_start3A_275 = arith.constant 0 : i32
      %dma_start3A_276 = arith.constant 0 : i32
      %dma_start3A_277 = tpu.memref_slice %arg4[%add3A_274, %dma_start3A_275, %dma_start3A_276] : memref<6400x128x128xf32, #tpu.memory_space<hbm>> -> memref<1x128x128xf32, #tpu.memory_space<hbm>>
      %dma_start3A_278 = tpu.memref_squeeze %dma_start3A_277 : memref<1x128x128xf32, #tpu.memory_space<hbm>> -> memref<128x128xf32, #tpu.memory_space<hbm>>
      %dma_start3A_279 = arith.constant 0 : i32
      %dma_start3A_280 = arith.constant 0 : i32
      %dma_start3A_281 = tpu.memref_slice %arg4[%add3A_274, %dma_start3A_279, %dma_start3A_280] : memref<6400x128x128xf32, #tpu.memory_space<hbm>> -> memref<1x128x128xf32, #tpu.memory_space<hbm>>
      %dma_start3A_282 = tpu.memref_squeeze %dma_start3A_281 : memref<1x128x128xf32, #tpu.memory_space<hbm>> -> memref<128x128xf32, #tpu.memory_space<hbm>>
      tpu.enqueue_dma source(%arg9 : memref<128x128xf32, #tpu.memory_space<vmem>>) target(%dma_start3A_282 : memref<128x128xf32, #tpu.memory_space<hbm>>) target_semaphore(%arg19 : memref<!tpu.dma_semaphore, #tpu.memory_space<semaphore_mem>>)
      %add3A_283 = arith.constant 2 : i32
      %add3A_284 = arith.addi %add3A_199, %add3A_283 : i32
      %add3A_285 = arith.constant 3 : i32
      %add3A_286 = arith.addi %add3A_284, %add3A_285 : i32
      %sub3A_287 = arith.constant 5 : i32
      %sub3A_288 = arith.subi %add3A_286, %sub3A_287 : i32
      %mul3A_289 = arith.constant 200 : i32
      %mul3A_290 = arith.muli %add3A, %mul3A_289 : i32
      %add3A_291 = arith.addi %mul3A_290, %sub3A_288 : i32
      %dma_wait3A_292 = arith.constant 0 : i32
      %dma_wait3A_293 = arith.constant 0 : i32
      %dma_wait3A_294 = tpu.memref_slice %arg4[%add3A_291, %dma_wait3A_292, %dma_wait3A_293] : memref<6400x128x128xf32, #tpu.memory_space<hbm>> -> memref<1x128x128xf32, #tpu.memory_space<hbm>>
      %dma_wait3A_295 = tpu.memref_squeeze %dma_wait3A_294 : memref<1x128x128xf32, #tpu.memory_space<hbm>> -> memref<128x128xf32, #tpu.memory_space<hbm>>
      %dma_wait3A_296 = arith.constant 0 : i32
      %dma_wait3A_297 = arith.constant 0 : i32
      %dma_wait3A_298 = tpu.memref_slice %arg4[%add3A_291, %dma_wait3A_296, %dma_wait3A_297] : memref<6400x128x128xf32, #tpu.memory_space<hbm>> -> memref<1x128x128xf32, #tpu.memory_space<hbm>>
      %dma_wait3A_299 = tpu.memref_squeeze %dma_wait3A_298 : memref<1x128x128xf32, #tpu.memory_space<hbm>> -> memref<128x128xf32, #tpu.memory_space<hbm>>
      tpu.wait_dma2 semaphore(%arg18 : memref<!tpu.dma_semaphore, #tpu.memory_space<semaphore_mem>>) src(%arg8 : memref<128x128xf32, #tpu.memory_space<vmem>>) dst(%dma_wait3A_299 : memref<128x128xf32, #tpu.memory_space<hbm>>)
      %add3A_300 = arith.constant 3 : i32
      %add3A_301 = arith.addi %add3A_284, %add3A_300 : i32
      %dma_start3A_302 = arith.constant 0 : i32
      %dma_start3A_303 = tpu.memref_slice %arg5[%add3A_301, %dma_start3A_302] : memref<200x128xi32, #tpu.memory_space<vmem>> -> memref<1x128xi32, #tpu.memory_space<vmem>>
      %dma_start3A_304 = tpu.memref_squeeze %dma_start3A_303 : memref<1x128xi32, #tpu.memory_space<vmem>> -> memref<128xi32, #tpu.memory_space<vmem>>
      %dma_start3A_305 = arith.constant 0 : i32
      %dma_start3A_306 = arith.constant 0 : i32
      %dma_start3A_307 = tpu.memref_slice %arg3[%dma_start3A_305, %dma_start3A_306] : memref<1000000x128xf32, #tpu.memory_space<hbm>> -> memref<1000000x128xf32, #tpu.memory_space<hbm>>
      tpu.enqueue_indirect_dma source(%dma_start3A_307 : memref<1000000x128xf32, #tpu.memory_space<hbm>>) target(%arg8 : memref<128x128xf32, #tpu.memory_space<vmem>>) offsets(%dma_start3A_304 : memref<128xi32, #tpu.memory_space<vmem>>) semaphore(%arg13 : memref<!tpu.dma_semaphore, #tpu.memory_space<semaphore_mem>>)
      %dma_wait3A_308 = arith.constant 0 : i32
      %dma_wait3A_309 = tpu.memref_slice %arg5[%add3A_284, %dma_wait3A_308] : memref<200x128xi32, #tpu.memory_space<vmem>> -> memref<1x128xi32, #tpu.memory_space<vmem>>
      %dma_wait3A_310 = tpu.memref_squeeze %dma_wait3A_309 : memref<1x128xi32, #tpu.memory_space<vmem>> -> memref<128xi32, #tpu.memory_space<vmem>>
      %dma_wait3A_311 = arith.constant 0 : i32
      %dma_wait3A_312 = arith.constant 0 : i32
      %dma_wait3A_313 = tpu.memref_slice %arg3[%dma_wait3A_311, %dma_wait3A_312] : memref<1000000x128xf32, #tpu.memory_space<hbm>> -> memref<1000000x128xf32, #tpu.memory_space<hbm>>
      tpu.wait_indirect_dma semaphore(%arg15 : memref<!tpu.dma_semaphore, #tpu.memory_space<semaphore_mem>>) src(%dma_wait3A_313 : memref<1000000x128xf32, #tpu.memory_space<hbm>>) dst(%arg10 : memref<128x128xf32, #tpu.memory_space<vmem>>)
      %mul3A_314 = arith.constant 200 : i32
      %mul3A_315 = arith.muli %add3A, %mul3A_314 : i32
      %add3A_316 = arith.addi %mul3A_315, %add3A_284 : i32
      %dma_start3A_317 = arith.constant 0 : i32
      %dma_start3A_318 = arith.constant 0 : i32
      %dma_start3A_319 = tpu.memref_slice %arg4[%add3A_316, %dma_start3A_317, %dma_start3A_318] : memref<6400x128x128xf32, #tpu.memory_space<hbm>> -> memref<1x128x128xf32, #tpu.memory_space<hbm>>
      %dma_start3A_320 = tpu.memref_squeeze %dma_start3A_319 : memref<1x128x128xf32, #tpu.memory_space<hbm>> -> memref<128x128xf32, #tpu.memory_space<hbm>>
      %dma_start3A_321 = arith.constant 0 : i32
      %dma_start3A_322 = arith.constant 0 : i32
      %dma_start3A_323 = tpu.memref_slice %arg4[%add3A_316, %dma_start3A_321, %dma_start3A_322] : memref<6400x128x128xf32, #tpu.memory_space<hbm>> -> memref<1x128x128xf32, #tpu.memory_space<hbm>>
      %dma_start3A_324 = tpu.memref_squeeze %dma_start3A_323 : memref<1x128x128xf32, #tpu.memory_space<hbm>> -> memref<128x128xf32, #tpu.memory_space<hbm>>
      tpu.enqueue_dma source(%arg10 : memref<128x128xf32, #tpu.memory_space<vmem>>) target(%dma_start3A_324 : memref<128x128xf32, #tpu.memory_space<hbm>>) target_semaphore(%arg20 : memref<!tpu.dma_semaphore, #tpu.memory_space<semaphore_mem>>)
      %add3A_325 = arith.constant 3 : i32
      %add3A_326 = arith.addi %add3A_199, %add3A_325 : i32
      %add3A_327 = arith.constant 3 : i32
      %add3A_328 = arith.addi %add3A_326, %add3A_327 : i32
      %sub3A_329 = arith.constant 5 : i32
      %sub3A_330 = arith.subi %add3A_328, %sub3A_329 : i32
      %mul3A_331 = arith.constant 200 : i32
      %mul3A_332 = arith.muli %add3A, %mul3A_331 : i32
      %add3A_333 = arith.addi %mul3A_332, %sub3A_330 : i32
      %dma_wait3A_334 = arith.constant 0 : i32
      %dma_wait3A_335 = arith.constant 0 : i32
      %dma_wait3A_336 = tpu.memref_slice %arg4[%add3A_333, %dma_wait3A_334, %dma_wait3A_335] : memref<6400x128x128xf32, #tpu.memory_space<hbm>> -> memref<1x128x128xf32, #tpu.memory_space<hbm>>
      %dma_wait3A_337 = tpu.memref_squeeze %dma_wait3A_336 : memref<1x128x128xf32, #tpu.memory_space<hbm>> -> memref<128x128xf32, #tpu.memory_space<hbm>>
      %dma_wait3A_338 = arith.constant 0 : i32
      %dma_wait3A_339 = arith.constant 0 : i32
      %dma_wait3A_340 = tpu.memref_slice %arg4[%add3A_333, %dma_wait3A_338, %dma_wait3A_339] : memref<6400x128x128xf32, #tpu.memory_space<hbm>> -> memref<1x128x128xf32, #tpu.memory_space<hbm>>
      %dma_wait3A_341 = tpu.memref_squeeze %dma_wait3A_340 : memref<1x128x128xf32, #tpu.memory_space<hbm>> -> memref<128x128xf32, #tpu.memory_space<hbm>>
      tpu.wait_dma2 semaphore(%arg19 : memref<!tpu.dma_semaphore, #tpu.memory_space<semaphore_mem>>) src(%arg9 : memref<128x128xf32, #tpu.memory_space<vmem>>) dst(%dma_wait3A_341 : memref<128x128xf32, #tpu.memory_space<hbm>>)
      %add3A_342 = arith.constant 3 : i32
      %add3A_343 = arith.addi %add3A_326, %add3A_342 : i32
      %dma_start3A_344 = arith.constant 0 : i32
      %dma_start3A_345 = tpu.memref_slice %arg5[%add3A_343, %dma_start3A_344] : memref<200x128xi32, #tpu.memory_space<vmem>> -> memref<1x128xi32, #tpu.memory_space<vmem>>
      %dma_start3A_346 = tpu.memref_squeeze %dma_start3A_345 : memref<1x128xi32, #tpu.memory_space<vmem>> -> memref<128xi32, #tpu.memory_space<vmem>>
      %dma_start3A_347 = arith.constant 0 : i32
      %dma_start3A_348 = arith.constant 0 : i32
      %dma_start3A_349 = tpu.memref_slice %arg3[%dma_start3A_347, %dma_start3A_348] : memref<1000000x128xf32, #tpu.memory_space<hbm>> -> memref<1000000x128xf32, #tpu.memory_space<hbm>>
      tpu.enqueue_indirect_dma source(%dma_start3A_349 : memref<1000000x128xf32, #tpu.memory_space<hbm>>) target(%arg9 : memref<128x128xf32, #tpu.memory_space<vmem>>) offsets(%dma_start3A_346 : memref<128xi32, #tpu.memory_space<vmem>>) semaphore(%arg14 : memref<!tpu.dma_semaphore, #tpu.memory_space<semaphore_mem>>)
      %dma_wait3A_350 = arith.constant 0 : i32
      %dma_wait3A_351 = tpu.memref_slice %arg5[%add3A_326, %dma_wait3A_350] : memref<200x128xi32, #tpu.memory_space<vmem>> -> memref<1x128xi32, #tpu.memory_space<vmem>>
      %dma_wait3A_352 = tpu.memref_squeeze %dma_wait3A_351 : memref<1x128xi32, #tpu.memory_space<vmem>> -> memref<128xi32, #tpu.memory_space<vmem>>
      %dma_wait3A_353 = arith.constant 0 : i32
      %dma_wait3A_354 = arith.constant 0 : i32
      %dma_wait3A_355 = tpu.memref_slice %arg3[%dma_wait3A_353, %dma_wait3A_354] : memref<1000000x128xf32, #tpu.memory_space<hbm>> -> memref<1000000x128xf32, #tpu.memory_space<hbm>>
      tpu.wait_indirect_dma semaphore(%arg11 : memref<!tpu.dma_semaphore, #tpu.memory_space<semaphore_mem>>) src(%dma_wait3A_355 : memref<1000000x128xf32, #tpu.memory_space<hbm>>) dst(%arg6 : memref<128x128xf32, #tpu.memory_space<vmem>>)
      %mul3A_356 = arith.constant 200 : i32
      %mul3A_357 = arith.muli %add3A, %mul3A_356 : i32
      %add3A_358 = arith.addi %mul3A_357, %add3A_326 : i32
      %dma_start3A_359 = arith.constant 0 : i32
      %dma_start3A_360 = arith.constant 0 : i32
      %dma_start3A_361 = tpu.memref_slice %arg4[%add3A_358, %dma_start3A_359, %dma_start3A_360] : memref<6400x128x128xf32, #tpu.memory_space<hbm>> -> memref<1x128x128xf32, #tpu.memory_space<hbm>>
      %dma_start3A_362 = tpu.memref_squeeze %dma_start3A_361 : memref<1x128x128xf32, #tpu.memory_space<hbm>> -> memref<128x128xf32, #tpu.memory_space<hbm>>
      %dma_start3A_363 = arith.constant 0 : i32
      %dma_start3A_364 = arith.constant 0 : i32
      %dma_start3A_365 = tpu.memref_slice %arg4[%add3A_358, %dma_start3A_363, %dma_start3A_364] : memref<6400x128x128xf32, #tpu.memory_space<hbm>> -> memref<1x128x128xf32, #tpu.memory_space<hbm>>
      %dma_start3A_366 = tpu.memref_squeeze %dma_start3A_365 : memref<1x128x128xf32, #tpu.memory_space<hbm>> -> memref<128x128xf32, #tpu.memory_space<hbm>>
      tpu.enqueue_dma source(%arg6 : memref<128x128xf32, #tpu.memory_space<vmem>>) target(%dma_start3A_366 : memref<128x128xf32, #tpu.memory_space<hbm>>) target_semaphore(%arg16 : memref<!tpu.dma_semaphore, #tpu.memory_space<semaphore_mem>>)
      %add3A_367 = arith.constant 4 : i32
      %add3A_368 = arith.addi %add3A_199, %add3A_367 : i32
      %add3A_369 = arith.constant 3 : i32
      %add3A_370 = arith.addi %add3A_368, %add3A_369 : i32
      %sub3A_371 = arith.constant 5 : i32
      %sub3A_372 = arith.subi %add3A_370, %sub3A_371 : i32
      %mul3A_373 = arith.constant 200 : i32
      %mul3A_374 = arith.muli %add3A, %mul3A_373 : i32
      %add3A_375 = arith.addi %mul3A_374, %sub3A_372 : i32
      %dma_wait3A_376 = arith.constant 0 : i32
      %dma_wait3A_377 = arith.constant 0 : i32
      %dma_wait3A_378 = tpu.memref_slice %arg4[%add3A_375, %dma_wait3A_376, %dma_wait3A_377] : memref<6400x128x128xf32, #tpu.memory_space<hbm>> -> memref<1x128x128xf32, #tpu.memory_space<hbm>>
      %dma_wait3A_379 = tpu.memref_squeeze %dma_wait3A_378 : memref<1x128x128xf32, #tpu.memory_space<hbm>> -> memref<128x128xf32, #tpu.memory_space<hbm>>
      %dma_wait3A_380 = arith.constant 0 : i32
      %dma_wait3A_381 = arith.constant 0 : i32
      %dma_wait3A_382 = tpu.memref_slice %arg4[%add3A_375, %dma_wait3A_380, %dma_wait3A_381] : memref<6400x128x128xf32, #tpu.memory_space<hbm>> -> memref<1x128x128xf32, #tpu.memory_space<hbm>>
      %dma_wait3A_383 = tpu.memref_squeeze %dma_wait3A_382 : memref<1x128x128xf32, #tpu.memory_space<hbm>> -> memref<128x128xf32, #tpu.memory_space<hbm>>
      tpu.wait_dma2 semaphore(%arg20 : memref<!tpu.dma_semaphore, #tpu.memory_space<semaphore_mem>>) src(%arg10 : memref<128x128xf32, #tpu.memory_space<vmem>>) dst(%dma_wait3A_383 : memref<128x128xf32, #tpu.memory_space<hbm>>)
      %add3A_384 = arith.constant 3 : i32
      %add3A_385 = arith.addi %add3A_368, %add3A_384 : i32
      %dma_start3A_386 = arith.constant 0 : i32
      %dma_start3A_387 = tpu.memref_slice %arg5[%add3A_385, %dma_start3A_386] : memref<200x128xi32, #tpu.memory_space<vmem>> -> memref<1x128xi32, #tpu.memory_space<vmem>>
      %dma_start3A_388 = tpu.memref_squeeze %dma_start3A_387 : memref<1x128xi32, #tpu.memory_space<vmem>> -> memref<128xi32, #tpu.memory_space<vmem>>
      %dma_start3A_389 = arith.constant 0 : i32
      %dma_start3A_390 = arith.constant 0 : i32
      %dma_start3A_391 = tpu.memref_slice %arg3[%dma_start3A_389, %dma_start3A_390] : memref<1000000x128xf32, #tpu.memory_space<hbm>> -> memref<1000000x128xf32, #tpu.memory_space<hbm>>
      tpu.enqueue_indirect_dma source(%dma_start3A_391 : memref<1000000x128xf32, #tpu.memory_space<hbm>>) target(%arg10 : memref<128x128xf32, #tpu.memory_space<vmem>>) offsets(%dma_start3A_388 : memref<128xi32, #tpu.memory_space<vmem>>) semaphore(%arg15 : memref<!tpu.dma_semaphore, #tpu.memory_space<semaphore_mem>>)
      %dma_wait3A_392 = arith.constant 0 : i32
      %dma_wait3A_393 = tpu.memref_slice %arg5[%add3A_368, %dma_wait3A_392] : memref<200x128xi32, #tpu.memory_space<vmem>> -> memref<1x128xi32, #tpu.memory_space<vmem>>
      %dma_wait3A_394 = tpu.memref_squeeze %dma_wait3A_393 : memref<1x128xi32, #tpu.memory_space<vmem>> -> memref<128xi32, #tpu.memory_space<vmem>>
      %dma_wait3A_395 = arith.constant 0 : i32
      %dma_wait3A_396 = arith.constant 0 : i32
      %dma_wait3A_397 = tpu.memref_slice %arg3[%dma_wait3A_395, %dma_wait3A_396] : memref<1000000x128xf32, #tpu.memory_space<hbm>> -> memref<1000000x128xf32, #tpu.memory_space<hbm>>
      tpu.wait_indirect_dma semaphore(%arg12 : memref<!tpu.dma_semaphore, #tpu.memory_space<semaphore_mem>>) src(%dma_wait3A_397 : memref<1000000x128xf32, #tpu.memory_space<hbm>>) dst(%arg7 : memref<128x128xf32, #tpu.memory_space<vmem>>)
      %mul3A_398 = arith.constant 200 : i32
      %mul3A_399 = arith.muli %add3A, %mul3A_398 : i32
      %add3A_400 = arith.addi %mul3A_399, %add3A_368 : i32
      %dma_start3A_401 = arith.constant 0 : i32
      %dma_start3A_402 = arith.constant 0 : i32
      %dma_start3A_403 = tpu.memref_slice %arg4[%add3A_400, %dma_start3A_401, %dma_start3A_402] : memref<6400x128x128xf32, #tpu.memory_space<hbm>> -> memref<1x128x128xf32, #tpu.memory_space<hbm>>
      %dma_start3A_404 = tpu.memref_squeeze %dma_start3A_403 : memref<1x128x128xf32, #tpu.memory_space<hbm>> -> memref<128x128xf32, #tpu.memory_space<hbm>>
      %dma_start3A_405 = arith.constant 0 : i32
      %dma_start3A_406 = arith.constant 0 : i32
      %dma_start3A_407 = tpu.memref_slice %arg4[%add3A_400, %dma_start3A_405, %dma_start3A_406] : memref<6400x128x128xf32, #tpu.memory_space<hbm>> -> memref<1x128x128xf32, #tpu.memory_space<hbm>>
      %dma_start3A_408 = tpu.memref_squeeze %dma_start3A_407 : memref<1x128x128xf32, #tpu.memory_space<hbm>> -> memref<128x128xf32, #tpu.memory_space<hbm>>
      tpu.enqueue_dma source(%arg7 : memref<128x128xf32, #tpu.memory_space<vmem>>) target(%dma_start3A_408 : memref<128x128xf32, #tpu.memory_space<hbm>>) target_semaphore(%arg17 : memref<!tpu.dma_semaphore, #tpu.memory_space<semaphore_mem>>)
    }
    %scan3A_77 = arith.constant 39 : i32
    %dma_wait3A_78 = arith.constant 197 : i32
    %dma_wait3A_79 = arith.constant 0 : i32
    %dma_wait3A_80 = tpu.memref_slice %arg5[%dma_wait3A_78, %dma_wait3A_79] : memref<200x128xi32, #tpu.memory_space<vmem>> -> memref<1x128xi32, #tpu.memory_space<vmem>>
    %dma_wait3A_81 = tpu.memref_squeeze %dma_wait3A_80 : memref<1x128xi32, #tpu.memory_space<vmem>> -> memref<128xi32, #tpu.memory_space<vmem>>
    %dma_wait3A_82 = arith.constant 0 : i32
    %dma_wait3A_83 = arith.constant 0 : i32
    %dma_wait3A_84 = tpu.memref_slice %arg3[%dma_wait3A_82, %dma_wait3A_83] : memref<1000000x128xf32, #tpu.memory_space<hbm>> -> memref<1000000x128xf32, #tpu.memory_space<hbm>>
    tpu.wait_indirect_dma semaphore(%arg13 : memref<!tpu.dma_semaphore, #tpu.memory_space<semaphore_mem>>) src(%dma_wait3A_84 : memref<1000000x128xf32, #tpu.memory_space<hbm>>) dst(%arg8 : memref<128x128xf32, #tpu.memory_space<vmem>>)
    %mul3A_85 = arith.constant 200 : i32
    %mul3A_86 = arith.muli %add3A, %mul3A_85 : i32
    %add3A_87 = arith.constant 197 : i32
    %add3A_88 = arith.addi %mul3A_86, %add3A_87 : i32
    %dma_start3A_89 = arith.constant 0 : i32
    %dma_start3A_90 = arith.constant 0 : i32
    %dma_start3A_91 = tpu.memref_slice %arg4[%add3A_88, %dma_start3A_89, %dma_start3A_90] : memref<6400x128x128xf32, #tpu.memory_space<hbm>> -> memref<1x128x128xf32, #tpu.memory_space<hbm>>
    %dma_start3A_92 = tpu.memref_squeeze %dma_start3A_91 : memref<1x128x128xf32, #tpu.memory_space<hbm>> -> memref<128x128xf32, #tpu.memory_space<hbm>>
    %dma_start3A_93 = arith.constant 0 : i32
    %dma_start3A_94 = arith.constant 0 : i32
    %dma_start3A_95 = tpu.memref_slice %arg4[%add3A_88, %dma_start3A_93, %dma_start3A_94] : memref<6400x128x128xf32, #tpu.memory_space<hbm>> -> memref<1x128x128xf32, #tpu.memory_space<hbm>>
    %dma_start3A_96 = tpu.memref_squeeze %dma_start3A_95 : memref<1x128x128xf32, #tpu.memory_space<hbm>> -> memref<128x128xf32, #tpu.memory_space<hbm>>
    tpu.enqueue_dma source(%arg8 : memref<128x128xf32, #tpu.memory_space<vmem>>) target(%dma_start3A_96 : memref<128x128xf32, #tpu.memory_space<hbm>>) target_semaphore(%arg18 : memref<!tpu.dma_semaphore, #tpu.memory_space<semaphore_mem>>)
    %dma_wait3A_97 = arith.constant 198 : i32
    %dma_wait3A_98 = arith.constant 0 : i32
    %dma_wait3A_99 = tpu.memref_slice %arg5[%dma_wait3A_97, %dma_wait3A_98] : memref<200x128xi32, #tpu.memory_space<vmem>> -> memref<1x128xi32, #tpu.memory_space<vmem>>
    %dma_wait3A_100 = tpu.memref_squeeze %dma_wait3A_99 : memref<1x128xi32, #tpu.memory_space<vmem>> -> memref<128xi32, #tpu.memory_space<vmem>>
    %dma_wait3A_101 = arith.constant 0 : i32
    %dma_wait3A_102 = arith.constant 0 : i32
    %dma_wait3A_103 = tpu.memref_slice %arg3[%dma_wait3A_101, %dma_wait3A_102] : memref<1000000x128xf32, #tpu.memory_space<hbm>> -> memref<1000000x128xf32, #tpu.memory_space<hbm>>
    tpu.wait_indirect_dma semaphore(%arg14 : memref<!tpu.dma_semaphore, #tpu.memory_space<semaphore_mem>>) src(%dma_wait3A_103 : memref<1000000x128xf32, #tpu.memory_space<hbm>>) dst(%arg9 : memref<128x128xf32, #tpu.memory_space<vmem>>)
    %mul3A_104 = arith.constant 200 : i32
    %mul3A_105 = arith.muli %add3A, %mul3A_104 : i32
    %add3A_106 = arith.constant 198 : i32
    %add3A_107 = arith.addi %mul3A_105, %add3A_106 : i32
    %dma_start3A_108 = arith.constant 0 : i32
    %dma_start3A_109 = arith.constant 0 : i32
    %dma_start3A_110 = tpu.memref_slice %arg4[%add3A_107, %dma_start3A_108, %dma_start3A_109] : memref<6400x128x128xf32, #tpu.memory_space<hbm>> -> memref<1x128x128xf32, #tpu.memory_space<hbm>>
    %dma_start3A_111 = tpu.memref_squeeze %dma_start3A_110 : memref<1x128x128xf32, #tpu.memory_space<hbm>> -> memref<128x128xf32, #tpu.memory_space<hbm>>
    %dma_start3A_112 = arith.constant 0 : i32
    %dma_start3A_113 = arith.constant 0 : i32
    %dma_start3A_114 = tpu.memref_slice %arg4[%add3A_107, %dma_start3A_112, %dma_start3A_113] : memref<6400x128x128xf32, #tpu.memory_space<hbm>> -> memref<1x128x128xf32, #tpu.memory_space<hbm>>
    %dma_start3A_115 = tpu.memref_squeeze %dma_start3A_114 : memref<1x128x128xf32, #tpu.memory_space<hbm>> -> memref<128x128xf32, #tpu.memory_space<hbm>>
    tpu.enqueue_dma source(%arg9 : memref<128x128xf32, #tpu.memory_space<vmem>>) target(%dma_start3A_115 : memref<128x128xf32, #tpu.memory_space<hbm>>) target_semaphore(%arg19 : memref<!tpu.dma_semaphore, #tpu.memory_space<semaphore_mem>>)
    %dma_wait3A_116 = arith.constant 199 : i32
    %dma_wait3A_117 = arith.constant 0 : i32
    %dma_wait3A_118 = tpu.memref_slice %arg5[%dma_wait3A_116, %dma_wait3A_117] : memref<200x128xi32, #tpu.memory_space<vmem>> -> memref<1x128xi32, #tpu.memory_space<vmem>>
    %dma_wait3A_119 = tpu.memref_squeeze %dma_wait3A_118 : memref<1x128xi32, #tpu.memory_space<vmem>> -> memref<128xi32, #tpu.memory_space<vmem>>
    %dma_wait3A_120 = arith.constant 0 : i32
    %dma_wait3A_121 = arith.constant 0 : i32
    %dma_wait3A_122 = tpu.memref_slice %arg3[%dma_wait3A_120, %dma_wait3A_121] : memref<1000000x128xf32, #tpu.memory_space<hbm>> -> memref<1000000x128xf32, #tpu.memory_space<hbm>>
    tpu.wait_indirect_dma semaphore(%arg15 : memref<!tpu.dma_semaphore, #tpu.memory_space<semaphore_mem>>) src(%dma_wait3A_122 : memref<1000000x128xf32, #tpu.memory_space<hbm>>) dst(%arg10 : memref<128x128xf32, #tpu.memory_space<vmem>>)
    %mul3A_123 = arith.constant 200 : i32
    %mul3A_124 = arith.muli %add3A, %mul3A_123 : i32
    %add3A_125 = arith.constant 199 : i32
    %add3A_126 = arith.addi %mul3A_124, %add3A_125 : i32
    %dma_start3A_127 = arith.constant 0 : i32
    %dma_start3A_128 = arith.constant 0 : i32
    %dma_start3A_129 = tpu.memref_slice %arg4[%add3A_126, %dma_start3A_127, %dma_start3A_128] : memref<6400x128x128xf32, #tpu.memory_space<hbm>> -> memref<1x128x128xf32, #tpu.memory_space<hbm>>
    %dma_start3A_130 = tpu.memref_squeeze %dma_start3A_129 : memref<1x128x128xf32, #tpu.memory_space<hbm>> -> memref<128x128xf32, #tpu.memory_space<hbm>>
    %dma_start3A_131 = arith.constant 0 : i32
    %dma_start3A_132 = arith.constant 0 : i32
    %dma_start3A_133 = tpu.memref_slice %arg4[%add3A_126, %dma_start3A_131, %dma_start3A_132] : memref<6400x128x128xf32, #tpu.memory_space<hbm>> -> memref<1x128x128xf32, #tpu.memory_space<hbm>>
    %dma_start3A_134 = tpu.memref_squeeze %dma_start3A_133 : memref<1x128x128xf32, #tpu.memory_space<hbm>> -> memref<128x128xf32, #tpu.memory_space<hbm>>
    tpu.enqueue_dma source(%arg10 : memref<128x128xf32, #tpu.memory_space<vmem>>) target(%dma_start3A_134 : memref<128x128xf32, #tpu.memory_space<hbm>>) target_semaphore(%arg20 : memref<!tpu.dma_semaphore, #tpu.memory_space<semaphore_mem>>)
    %mul3A_135 = arith.constant 200 : i32
    %mul3A_136 = arith.muli %add3A, %mul3A_135 : i32
    %add3A_137 = arith.constant 195 : i32
    %add3A_138 = arith.addi %mul3A_136, %add3A_137 : i32
    %dma_wait3A_139 = arith.constant 0 : i32
    %dma_wait3A_140 = arith.constant 0 : i32
    %dma_wait3A_141 = tpu.memref_slice %arg4[%add3A_138, %dma_wait3A_139, %dma_wait3A_140] : memref<6400x128x128xf32, #tpu.memory_space<hbm>> -> memref<1x128x128xf32, #tpu.memory_space<hbm>>
    %dma_wait3A_142 = tpu.memref_squeeze %dma_wait3A_141 : memref<1x128x128xf32, #tpu.memory_space<hbm>> -> memref<128x128xf32, #tpu.memory_space<hbm>>
    %dma_wait3A_143 = arith.constant 0 : i32
    %dma_wait3A_144 = arith.constant 0 : i32
    %dma_wait3A_145 = tpu.memref_slice %arg4[%add3A_138, %dma_wait3A_143, %dma_wait3A_144] : memref<6400x128x128xf32, #tpu.memory_space<hbm>> -> memref<1x128x128xf32, #tpu.memory_space<hbm>>
    %dma_wait3A_146 = tpu.memref_squeeze %dma_wait3A_145 : memref<1x128x128xf32, #tpu.memory_space<hbm>> -> memref<128x128xf32, #tpu.memory_space<hbm>>
    tpu.wait_dma2 semaphore(%arg16 : memref<!tpu.dma_semaphore, #tpu.memory_space<semaphore_mem>>) src(%arg6 : memref<128x128xf32, #tpu.memory_space<vmem>>) dst(%dma_wait3A_146 : memref<128x128xf32, #tpu.memory_space<hbm>>)
    %mul3A_147 = arith.constant 200 : i32
    %mul3A_148 = arith.muli %add3A, %mul3A_147 : i32
    %add3A_149 = arith.constant 196 : i32
    %add3A_150 = arith.addi %mul3A_148, %add3A_149 : i32
    %dma_wait3A_151 = arith.constant 0 : i32
    %dma_wait3A_152 = arith.constant 0 : i32
    %dma_wait3A_153 = tpu.memref_slice %arg4[%add3A_150, %dma_wait3A_151, %dma_wait3A_152] : memref<6400x128x128xf32, #tpu.memory_space<hbm>> -> memref<1x128x128xf32, #tpu.memory_space<hbm>>
    %dma_wait3A_154 = tpu.memref_squeeze %dma_wait3A_153 : memref<1x128x128xf32, #tpu.memory_space<hbm>> -> memref<128x128xf32, #tpu.memory_space<hbm>>
    %dma_wait3A_155 = arith.constant 0 : i32
    %dma_wait3A_156 = arith.constant 0 : i32
    %dma_wait3A_157 = tpu.memref_slice %arg4[%add3A_150, %dma_wait3A_155, %dma_wait3A_156] : memref<6400x128x128xf32, #tpu.memory_space<hbm>> -> memref<1x128x128xf32, #tpu.memory_space<hbm>>
    %dma_wait3A_158 = tpu.memref_squeeze %dma_wait3A_157 : memref<1x128x128xf32, #tpu.memory_space<hbm>> -> memref<128x128xf32, #tpu.memory_space<hbm>>
    tpu.wait_dma2 semaphore(%arg17 : memref<!tpu.dma_semaphore, #tpu.memory_space<semaphore_mem>>) src(%arg7 : memref<128x128xf32, #tpu.memory_space<vmem>>) dst(%dma_wait3A_158 : memref<128x128xf32, #tpu.memory_space<hbm>>)
    %mul3A_159 = arith.constant 200 : i32
    %mul3A_160 = arith.muli %add3A, %mul3A_159 : i32
    %add3A_161 = arith.constant 197 : i32
    %add3A_162 = arith.addi %mul3A_160, %add3A_161 : i32
    %dma_wait3A_163 = arith.constant 0 : i32
    %dma_wait3A_164 = arith.constant 0 : i32
    %dma_wait3A_165 = tpu.memref_slice %arg4[%add3A_162, %dma_wait3A_163, %dma_wait3A_164] : memref<6400x128x128xf32, #tpu.memory_space<hbm>> -> memref<1x128x128xf32, #tpu.memory_space<hbm>>
    %dma_wait3A_166 = tpu.memref_squeeze %dma_wait3A_165 : memref<1x128x128xf32, #tpu.memory_space<hbm>> -> memref<128x128xf32, #tpu.memory_space<hbm>>
    %dma_wait3A_167 = arith.constant 0 : i32
    %dma_wait3A_168 = arith.constant 0 : i32
    %dma_wait3A_169 = tpu.memref_slice %arg4[%add3A_162, %dma_wait3A_167, %dma_wait3A_168] : memref<6400x128x128xf32, #tpu.memory_space<hbm>> -> memref<1x128x128xf32, #tpu.memory_space<hbm>>
    %dma_wait3A_170 = tpu.memref_squeeze %dma_wait3A_169 : memref<1x128x128xf32, #tpu.memory_space<hbm>> -> memref<128x128xf32, #tpu.memory_space<hbm>>
    tpu.wait_dma2 semaphore(%arg18 : memref<!tpu.dma_semaphore, #tpu.memory_space<semaphore_mem>>) src(%arg8 : memref<128x128xf32, #tpu.memory_space<vmem>>) dst(%dma_wait3A_170 : memref<128x128xf32, #tpu.memory_space<hbm>>)
    %mul3A_171 = arith.constant 200 : i32
    %mul3A_172 = arith.muli %add3A, %mul3A_171 : i32
    %add3A_173 = arith.constant 198 : i32
    %add3A_174 = arith.addi %mul3A_172, %add3A_173 : i32
    %dma_wait3A_175 = arith.constant 0 : i32
    %dma_wait3A_176 = arith.constant 0 : i32
    %dma_wait3A_177 = tpu.memref_slice %arg4[%add3A_174, %dma_wait3A_175, %dma_wait3A_176] : memref<6400x128x128xf32, #tpu.memory_space<hbm>> -> memref<1x128x128xf32, #tpu.memory_space<hbm>>
    %dma_wait3A_178 = tpu.memref_squeeze %dma_wait3A_177 : memref<1x128x128xf32, #tpu.memory_space<hbm>> -> memref<128x128xf32, #tpu.memory_space<hbm>>
    %dma_wait3A_179 = arith.constant 0 : i32
    %dma_wait3A_180 = arith.constant 0 : i32
    %dma_wait3A_181 = tpu.memref_slice %arg4[%add3A_174, %dma_wait3A_179, %dma_wait3A_180] : memref<6400x128x128xf32, #tpu.memory_space<hbm>> -> memref<1x128x128xf32, #tpu.memory_space<hbm>>
    %dma_wait3A_182 = tpu.memref_squeeze %dma_wait3A_181 : memref<1x128x128xf32, #tpu.memory_space<hbm>> -> memref<128x128xf32, #tpu.memory_space<hbm>>
    tpu.wait_dma2 semaphore(%arg19 : memref<!tpu.dma_semaphore, #tpu.memory_space<semaphore_mem>>) src(%arg9 : memref<128x128xf32, #tpu.memory_space<vmem>>) dst(%dma_wait3A_182 : memref<128x128xf32, #tpu.memory_space<hbm>>)
    %mul3A_183 = arith.constant 200 : i32
    %mul3A_184 = arith.muli %add3A, %mul3A_183 : i32
    %add3A_185 = arith.constant 199 : i32
    %add3A_186 = arith.addi %mul3A_184, %add3A_185 : i32
    %dma_wait3A_187 = arith.constant 0 : i32
    %dma_wait3A_188 = arith.constant 0 : i32
    %dma_wait3A_189 = tpu.memref_slice %arg4[%add3A_186, %dma_wait3A_187, %dma_wait3A_188] : memref<6400x128x128xf32, #tpu.memory_space<hbm>> -> memref<1x128x128xf32, #tpu.memory_space<hbm>>
    %dma_wait3A_190 = tpu.memref_squeeze %dma_wait3A_189 : memref<1x128x128xf32, #tpu.memory_space<hbm>> -> memref<128x128xf32, #tpu.memory_space<hbm>>
    %dma_wait3A_191 = arith.constant 0 : i32
    %dma_wait3A_192 = arith.constant 0 : i32
    %dma_wait3A_193 = tpu.memref_slice %arg4[%add3A_186, %dma_wait3A_191, %dma_wait3A_192] : memref<6400x128x128xf32, #tpu.memory_space<hbm>> -> memref<1x128x128xf32, #tpu.memory_space<hbm>>
    %dma_wait3A_194 = tpu.memref_squeeze %dma_wait3A_193 : memref<1x128x128xf32, #tpu.memory_space<hbm>> -> memref<128x128xf32, #tpu.memory_space<hbm>>
    tpu.wait_dma2 semaphore(%arg20 : memref<!tpu.dma_semaphore, #tpu.memory_space<semaphore_mem>>) src(%arg10 : memref<128x128xf32, #tpu.memory_space<vmem>>) dst(%dma_wait3A_194 : memref<128x128xf32, #tpu.memory_space<hbm>>)
    return
  }
}

</mosaic_0001>

<sc_bundles>
// kernel: kernel.3.cloned.1.call-start
scs
__scs_entry_jumppad:
0x0: {  	(pc) =	sbr.rel $0x88, $3  }
0x1: {  	(tag) =	ssettag $0x0;
	lr =	simm.s32 $0x1  }
0x2: {  	[smem:$0x3F9F] =	sst lr;
	_ =	strace $0xD0000000  }
0x3: {  	_ = 	snop  }
0x4: {  	_ = 	snop  }
0x5: {  	_ = 	snop  }
0x6: {  	_ = 	snop  }
0x7: {  	_ = 	snop  }
__scs_overlays_trampoline_lowered:
0x8: {  	[smem:$0x3FAE] =	sst s0  }
0x9: {  	[smem:$0x3FAF] =	sst s1  }
0xa: {  	[smem:$0x3FB0] =	sst s2  }
0xb: {  	[smem:$0x3FB1] =	sst s3  }
0xc: {  	[smem:$0x3FB2] =	sst s4  }
0xd: {  	[smem:$0x3FB3] =	sst s5  }
0xe: {  	[smem:$0x3FB4] =	sst s6  }
0xf: {  	[smem:$0x3FB5] =	sst s7  }
0x10: {  	[smem:$0x3FB6] =	sst s8  }
0x11: {  	[smem:$0x3FB7] =	sst s9;
	s0 =	simm.s32 @!p0 $0x0  }
0x12: {  	s1 =	sld [smem:$0x3F9D];
	s0 =	simm.s32 @p0 $0x1  }
0x13: {  	[smem:$0x3FB8] =	sst s0;
	s0 =	simm.s32 @!p1 $0x0  }
0x14: {  	s2 =	sld [smem:$0x3F9C];
	s0 =	simm.s32 @p1 $0x1  }
0x15: {  	[smem:$0x3FB9] =	sst s0;
	s0 =	simm.s32 @!p2 $0x0  }
0x16: {  	s3 =	sld [smem:$0x3FDB];
	s0 =	simm.s32 @p2 $0x1  }
0x17: {  	s4 =	simm.s32 $0x1BF5;
	[smem:$0x3FBB] =	sst s0  }
0x18: {  	s0 =	sld [smem:$0x3F9E];
	_ =	swait.ge [sflag:s4], $0x0  }
0x19: {  	s7 =	sld [smem:$0x3F9F]  }
0x1a: {  	s8 =	sadd.s32 $0xFFFFE003, lr  }
0x1b: {  	s9 =	sadd.s32 $0xFFFFFEF7, lr;
	s5 =	simm.s32 $0xFFFFFFFF;
	p2 =	slt.u32 s8, $0xFFFFF086  }
0x1c: {  	p1 =	slt.u32 s9, $0xF7A;
	s5 =	simm.s32 @!p2 $0x0  }
0x1d: {  	s5 =	simm.s32 @p1 $0x1;
	p0 =	seq.s32 s7, s2  }
0x1e: {  	s7 =	smul.u32 @!p0 $0xF7A, s2;
	p2 =	seq.s32 @!p0 s5, $0x0  }
0x1f: {  	s9 =	smul.u32 $0xF7A, s1;
	s8 =	simm.s32 @!p0 $0x1BF5;
	p2 =	por !p2, p0  }
0x20: {  	[sflag:s8] =	ssyncset.s32 @!p0 $0xFFFFF086;
	s6 =	sadd.s32 @!p0 s3, s7;
	s7 =	simm.s32 @!p0 $0x108  }
0x21: {  	s3 =	sadd.s32 s3, s9;
	s6 =	sadd.s32 @!p0 $0x88, s6;
	s7 =	simm.s32 @p2 $0x1082  }
0x22: {  	[simem:s7], [sflag:s8] =	dma.local @!p0 [hbm:s6], $0xF7A  }
0x23: {  	s9 =	sor.u32 $0xD0000000, s2;
	s6 =	simm.s32 $0x108;
	_ =	swait.ge @!p0 [sflag:s8], $0x0  }
0x24: {  	s3 =	sadd.s32 $0x88, s3;
	s6 =	simm.s32 @!p1 $0x1082;
	[sflag:s4] =	ssyncset.s32 $0xFFFFF086  }
0x25: {  	[simem:s6], [sflag:s4] =	dma.local [hbm:s3], $0xF7A  }
0x26: {  	[smem:$0x3F9F] =	sst s1;
	(tag) =	ssettag s2;
	_ =	strace s9  }
0x27: {  	s1 =	sld [smem:$0x3FAF]  }
0x28: {  	s2 =	sld [smem:$0x3FB0]  }
0x29: {  	s4 =	sld [smem:$0x3FB2]  }
0x2a: {  	p0 =	seq.s32 s5, $0x0;
	s5 =	sld [smem:$0x3FB3]  }
0x2b: {  	s6 =	sld [smem:$0x3FB4]  }
0x2c: {  	s7 =	sld [smem:$0x3FB5]  }
0x2d: {  	s3 =	simm.s32 $0x108;
	s8 =	sld [smem:$0x3FB6]  }
0x2e: {  	s3 =	simm.s32 @!p0 $0x1082;
	s9 =	sld [smem:$0x3FB7]  }
0x2f: {  	lr =	sadd.s32 s0, s3;
	s0 =	sld [smem:$0x3FAE]  }
0x30: {  	s3 =	sld [smem:$0x3FB1]  }
0x31: {  	[smem:$0x3FBA] =	sst s10  }
0x32: {  	s10 =	sld [smem:$0x3FB8];
	_ =	sdelay $0x3  }
0x33: {  	p0 =	seq.s32 s10, $0x1;
	s10 =	sld [smem:$0x3FBA];
	_ =	sdelay $0x3  }
0x34: {  	[smem:$0x3FBA] =	sst s10  }
0x35: {  	s10 =	sld [smem:$0x3FB9];
	_ =	sdelay $0x3  }
0x36: {  	p1 =	seq.s32 s10, $0x1;
	s10 =	sld [smem:$0x3FBA];
	_ =	sdelay $0x3  }
0x37: {  	[smem:$0x3FBA] =	sst s10  }
0x38: {  	s10 =	sld [smem:$0x3FBB]  }
0x39: {  	_ = 	snop;
	(pc) =	sbr.ind lr, $3  }
0x3a: {  	_ = 	snop  }
0x3b: {  	_ = 	snop  }
0x3c: {  	p2 =	seq.s32 s10, $0x1;
	s10 =	sld [smem:$0x3FBA]  }
0x3d: {  	_ =	shalt  }
0x3e: {  	_ =	shalt  }
0x3f: {  	_ =	shalt  }
0x40: {  	_ =	shalt  }
0x41: {  	_ =	shalt  }
0x42: {  	_ =	shalt  }
0x43: {  	_ =	shalt  }
0x44: {  	_ =	shalt  }
0x45: {  	_ =	shalt  }
0x46: {  	_ =	shalt  }
0x47: {  	_ =	shalt  }
0x48: {  	_ =	shalt  }
0x49: {  	_ =	shalt  }
0x4a: {  	_ =	shalt  }
0x4b: {  	_ =	shalt  }
0x4c: {  	_ =	shalt  }
0x4d: {  	_ =	shalt  }
0x4e: {  	_ =	shalt  }
0x4f: {  	_ =	shalt  }
0x50: {  	_ =	shalt  }
0x51: {  	_ =	shalt  }
0x52: {  	_ =	shalt  }
0x53: {  	_ =	shalt  }
0x54: {  	_ =	shalt  }
0x55: {  	_ =	shalt  }
0x56: {  	_ =	shalt  }
0x57: {  	_ =	shalt  }
0x58: {  	_ =	shalt  }
0x59: {  	_ =	shalt  }
0x5a: {  	_ =	shalt  }
0x5b: {  	_ =	shalt  }
0x5c: {  	_ =	shalt  }
0x5d: {  	_ =	shalt  }
0x5e: {  	_ =	shalt  }
0x5f: {  	_ =	shalt  }
0x60: {  	_ =	shalt  }
0x61: {  	_ =	shalt  }
0x62: {  	_ =	shalt  }
0x63: {  	_ =	shalt  }
0x64: {  	_ =	shalt  }
0x65: {  	_ =	shalt  }
0x66: {  	_ =	shalt  }
0x67: {  	_ =	shalt  }
0x68: {  	_ =	shalt  }
0x69: {  	_ =	shalt  }
0x6a: {  	_ =	shalt  }
0x6b: {  	_ =	shalt  }
0x6c: {  	_ =	shalt  }
0x6d: {  	_ =	shalt  }
0x6e: {  	_ =	shalt  }
0x6f: {  	_ =	shalt  }
0x70: {  	_ =	shalt  }
0x71: {  	_ =	shalt  }
0x72: {  	_ =	shalt  }
0x73: {  	_ =	shalt  }
0x74: {  	_ =	shalt  }
0x75: {  	_ =	shalt  }
0x76: {  	_ =	shalt  }
0x77: {  	_ =	shalt  }
0x78: {  	_ =	shalt  }
0x79: {  	_ =	shalt  }
0x7a: {  	_ =	shalt  }
0x7b: {  	_ =	shalt  }
0x7c: {  	_ =	shalt  }
0x7d: {  	_ =	shalt  }
0x7e: {  	_ =	shalt  }
0x7f: {  	_ =	shalt  }
0x80: {  	_ =	shalt  }
0x81: {  	_ =	shalt  }
0x82: {  	_ =	shalt  }
0x83: {  	_ =	shalt  }
0x84: {  	_ =	shalt  }
0x85: {  	_ =	shalt  }
0x86: {  	_ =	shalt  }
0x87: {  	_ =	shalt  }
.Lfunc_end0:
.L_simem_size_0:
called_computation_lowered:
.L_overlay_start_0:
0x88: {  	s2 =	sld [smem:$0x3FD9]  }
0x89: {  	s3 =	sld [smem:$0x3FFE];
	_ =	sdelay $0x1  }
0x8a: {  	s1 =	srdreg.scid  }
0x8b: {  	s0 =	sand.u32 $0x1, s1  }
0x8c: {  	s17 =	sshll.u32 s0, $0xA;
	s2 =	sadd.s32 s3, s2  }
0x8d: {  	s2 =	sadd.s32 s2, s17  }
0x8e: {  	[smem:$0x3FC6] =	sst s2  }
0x8f: {  	_ = 	snop  }
0x90: {  	s2 =	sld [smem:$0x3FC8]  }
0x91: {  	s18 =	sld [smem:$0x3FD0];
	(tm) =	ssettm $0x1  }
0x92: {  	s4 =	sld [smem:$0x3FFB];
	_ =	sdelay $0x3  }
0x93: {  	_ =	strace s4  }
0x94: {  	s4 =	sld [smem:$0x3FFC];
	_ =	sdelay $0x3  }
0x95: {  	_ =	strace s4  }
0x96: {  	s4 =	sld [smem:$0x3FFD];
	_ =	sdelay $0x3  }
0x97: {  	_ =	strace s4  }
0x98: {  	_ =	strace $0x8FFFFFFF  }
0x99: {  	s19 =	sld [smem:$0x3FDB];
	_ =	sdelay $0x1  }
0x9a: {  	s5 =	simm.s32 $_scs_section_size  }
0x9b: {  	s6 =	simm.s32 $_size__tile_overlayer_lowered;
	s7 =	simm.s32 $_tile_overlayer_lowered  }
0x9c: {  	s22 =	simm.s32 $0x1BFF;
	s21 =	sshll.u32 s7, $0x1;
	s4 =	sadd.s32 s5, s19  }
0x9d: {  	s8 =	simm.s32 $0x0;
	s20 =	sshll.u32 s6, $0x1;
	s6 =	sadd.s32 s21, s4  }
0x9e: {  	[timem:s8], [sflag:s22] =	dma.local [hbm:s6], s20  }
0x9f: {  	_ =	swait.ge [sflag:s22], s20  }
0xa0: {  	s5 =	ssub.s32 $0x0, s20;
	[sflag:s22] =	ssyncset.done $0x0  }
0xa1: {  	[sflag:s22] =	ssyncadd.s32 s5;
	_ =	sdelay $0x1  }
0xa2: {  	s23 =	simm.s32 $0x1B8B  }
0xa3: {  	_ =	swait.ge [sflag:s23], $0x1  }
0xa4: {  	[sflag:s23] =	ssyncset.done $0x0  }
0xa5: {  	s25 =	simm.s32 $0x1B8E;
	s24 =	sld [smem:$0x3FFE];
	[sflag:s23] =	ssyncadd.s32 $0xFFFFFFFF  }
0xa6: {  	s26 =	simm.s32 $execute0_lowered;
	[smem:$0x3FD2] =	sst s25  }
0xa7: {  	s6 =	sshll.u32 s26, $0x1;
	_ =	strace $0x80000046;
	[dreg:$0x1] =	wrdreg $0xFFFFFFFF  }
0xa8: {  	s28 =	simm.s32 $_size_execute0_lowered;
	s4 =	sadd.s32 s4, s6;
	[dreg:$0x0] =	wrdreg $0x0  }
0xa9: {  	s6 =	sshll.u32 s28, $0x1;
	[dreg:$0x2] =	wrdreg s4  }
0xaa: {  	[dreg:$0x3] =	wrdreg s6  }
0xab: {  	[dreg:$0x4] =	wrdreg $0xC0  }
0xac: {  	_ =	task [dreg:s8], $0x5FFFF  }
0xad: {  	[dreg:$0x1] =	wrdreg $0xFFFFFFFF  }
0xae: {  	[dreg:$0x0] =	wrdreg $0x60  }
0xaf: {  	[dreg:$0x2] =	wrdreg s24  }
0xb0: {  	[dreg:$0x3] =	wrdreg s2  }
0xb1: {  	[dreg:$0x4] =	wrdreg s18  }
0xb2: {  	[dreg:$0x5] =	wrdreg $0x9  }
0xb3: {  	_ =	task.clear_ibuf [dreg:s8], $0x6FFFF;
	_ =	strace $0x90000046  }
0xb4: {  	s29 =	simm.s32 $0x9;
	_ =	strace $0x80000048  }
0xb5: {  	_ =	swait.ge [sflag:s29], $0x1  }
0xb6: {  	[sflag:s29] =	ssyncadd.s32 $0xFFFFFFFF  }
0xb7: {  	_ =	strace $0x90000048  }
0xb8: {  	_ =	sfence  }
0xb9: {  	s30 =	sld [smem:$0x0];
	_ =	sdelay $0x2  }
0xba: {  	s31 =	sshll.u32 s1, $0xD;
	s1 =	sshrl.u32 s1, $0x2  }
0xbb: {  	s3 =	sand.u32 $0x4000, s31;
	s1 =	sadd.s32 s1, s30  }
0xbc: {  	s0 =	sor.u32 s3, s0;
	s1 =	sshll.u32 s1, $0x11  }
0xbd: {  	s0 =	sor.u32 s1, s0  }
0xbe: {  	s0 =	sadd.s32 $0x8F2B, s0  }
0xbf: {  	[sflag:s0] =	ssyncadd.remote.s32 $0x1  }
0xc0: {  	_ =	sfence.sel $0xFFFF  }
0xc1: {  	[dreg:$0x0] =	wrdreg $0xFFFFFFFF;
	(pc) =	sbr.abs _section_cstart, $3  }
0xc2: {  	[dreg:$0x1] =	wrdreg $0xFFFFFFFF  }
0xc3: {  	_ =	task.clear_ibuf [dreg:s8], $0x2FFFF;
	_ =	strace $0x9FFFFFFF  }
0xc4: {  	(tm) =	ssettm $0x7FFFFFFF  }
0xc5: {  	_ =	shalt  }
tec
execute0_lowered:
.L_overlay_start_1:
0x0: {  	(tag) =	ssettag $0x1  }
0x1: {  	s0 =	srdreg.scid;
	s4 =	rddreg [dreg:$0x0]  }
0x2: {  	s8 =	stileid.u32;
	s2 =	rddreg [dreg:$0x1]  }
0x3: {  	s9 =	rddreg [dreg:$0x2];
	s3 =	simm.s32 $0x0;
	s12 =	simm.s32 $0xB  }
0x4: {  	s13 =	simm.s32 $0x80;
	s14 =	simm.s32 $0x6400;
	s15 =	simm.s32 $0xA400  }
0x5: {  	s17 =	simm.s32 $0xE400;
	s19 =	simm.s32 $0x12400;
	s20 =	simm.s32 $0x1  }
0x6: {  	s22 =	simm.s32 $0x16400;
	s23 =	simm.s32 $0x2;
	s24 =	simm.s32 $0x6  }
0x7: {  	s25 =	simm.s32 $0x3;
	s28 =	simm.s32 $0x4;
	s29 =	simm.s32 $0x8  }
0x8: {  	s0 =	sand.u32 $0x1, s0;
	s1 =	sshll.u32 s8, $0x1;
	s8 =	smul.u32 $0x190, s8  }
0x9: {  	s1 =	sor.u32 s0, s1;
	s7 =	ssub.s32 $0x2, s0;
	s0 =	smul.u32 $0xC8, s0  }
0xa: {  	s30 =	simm.s32 $0x5;
	s31 =	simm.s32 $0x9;
	s5 =	smul.u32 $0xC80, s1  }
0xb: {  	[smem:$0x7FF] =	sst s3;
	s6 =	smul.u32 $0x64000, s1;
	s26 =	sshrl.u32 s7, $0x1  }
0xc: {  	_ =	strace $0x80000047;
	s1 =	smul.u32 $0x320000, s1;
	s10 =	ssub.s32 s7, s26  }
0xd: {  	s0 =	sadd.s32 s0, s8;
	s26 =	simm.s32 $0x7;
	s4 =	sadd.s32 s5, s4  }
0xe: {  	s5 =	sadd.s32 s9, s6;
	s1 =	sshrl.u32 s1, $0x3;
	s0 =	sshll.u32 s0, $0xB  }
0xf: {  	s10 =	smax.u32 s10, $0x1;
	s4 =	sadd.s32 $0x400, s4;
	s6 =	sadd.s32 $0x800, s5  }
0x10: {  	s1 =	sadd.s32 s9, s1;
	s0 =	sadd.s32 s0, s9;
	[dreg:$0x4] =	wrdreg s4  }
0x11: {  	s7 =	sadd.s32 $0x62800, s1;
	s8 =	sadd.s32 $0x63000, s1;
	s9 =	sadd.s32 $0x63800, s1  }
0x12: {  	s11 =	sadd.s32 $0x1800, s0;
	s1 =	simm.s32 $0xA;
	s0 =	simm.s32 $0x0  }
.LBB2_1:
0x13: {  	s4 =	rddreg [dreg:$0x4]  }
0x14: {  	[tilespmem:s3], [sflag:$0xB] =	stream.linear.gather [hbm4b:s4+s3], $0x6400, $0x38;
	[tilespmem:$0x1A400] =	vst v63  }
0x15: {  	_ =	swait.ge [sflag:s12], $0x6400  }
0x16: {  	[sflag:s12] =	ssyncset.done $0x0  }
0x17: {  	[sflag:s12] =	ssyncadd.s32 $0xFFFF9C00  }
0x18: {  	[tilespmem:s14], [sflag:$0x1] =	stream.indirect.gather [hbm4b:s2+s13], $0x80, s3, s13, $0xb8;
	[tilespmem:$0x1A400] =	vst v63  }
0x19: {  	_ = 	snop  }
0x1a: {  	[tilespmem:s15], [sflag:$0x2] =	stream.indirect.gather [hbm4b:s2+s13], $0x80, s13, s13, $0xb8;
	[tilespmem:$0x1A400] =	vst v63  }
0x1b: {  	s21 =	simm.s32 $0x100  }
0x1c: {  	[tilespmem:s17], [sflag:$0x3] =	stream.indirect.gather [hbm4b:s2+s13], $0x80, s21, s13, $0xb8;
	[tilespmem:$0x1A400] =	vst v63  }
0x1d: {  	s16 =	simm.s32 $0x180  }
0x1e: {  	[tilespmem:s19], [sflag:$0x4] =	stream.indirect.gather [hbm4b:s2+s13], $0x80, s16, s13, $0xb8;
	[tilespmem:$0x1A400] =	vst v63  }
0x1f: {  	_ =	swait.ge [sflag:s20], $0x4000  }
0x20: {  	[sflag:s20] =	ssyncset.done $0x0  }
0x21: {  	[sflag:s20] =	ssyncadd.s32 $0xFFFFC000  }
0x22: {  	[hbm4b:s5+s3] =	stream.linear.scatter [tilespmem:s14], [sflag:$0x6], $0x4000, $0x38;
	[tilespmem:$0x1A400] =	vst v63  }
0x23: {  	s18 =	simm.s32 $0x200  }
0x24: {  	[tilespmem:s22], [sflag:$0x5] =	stream.indirect.gather [hbm4b:s2+s13], $0x80, s18, s13, $0xb8;
	[tilespmem:$0x1A400] =	vst v63  }
0x25: {  	_ =	swait.ge [sflag:s23], $0x4000  }
0x26: {  	[sflag:s23] =	ssyncset.done $0x0  }
0x27: {  	[sflag:s23] =	ssyncadd.s32 $0xFFFFC000  }
0x28: {  	[hbm4b:s6+s3] =	stream.linear.scatter [tilespmem:s15], [sflag:$0x7], $0x4000, $0x38;
	[tilespmem:$0x1A400] =	vst v63  }
0x29: {  	_ =	swait.ge [sflag:s24], $0x4000  }
0x2a: {  	[sflag:s24] =	ssyncset.done $0x0  }
0x2b: {  	s16 =	simm.s32 $0x280;
	[sflag:s24] =	ssyncadd.s32 $0xFFFFC000  }
0x2c: {  	[tilespmem:s14], [sflag:$0x1] =	stream.indirect.gather [hbm4b:s2+s13], $0x80, s16, s13, $0xb8;
	[tilespmem:$0x1A400] =	vst v63  }
0x2d: {  	_ =	swait.ge [sflag:s25], $0x4000  }
0x2e: {  	[sflag:s25] =	ssyncset.done $0x0  }
0x2f: {  	s21 =	sadd.s32 $0xFFFFF800, s11;
	[sflag:s25] =	ssyncadd.s32 $0xFFFFC000  }
0x30: {  	[hbm4b:s21+s3] =	stream.linear.scatter [tilespmem:s17], [sflag:$0x8], $0x4000, $0x38;
	[tilespmem:$0x1A400] =	vst v63  }
0x31: {  	_ =	swait.ge [sflag:s26], $0x4000  }
0x32: {  	[sflag:s26] =	ssyncset.done $0x0  }
0x33: {  	s4 =	simm.s32 $0x300;
	[sflag:s26] =	ssyncadd.s32 $0xFFFFC000  }
0x34: {  	[tilespmem:s15], [sflag:$0x2] =	stream.indirect.gather [hbm4b:s2+s13], $0x80, s4, s13, $0xb8;
	[tilespmem:$0x1A400] =	vst v63  }
0x35: {  	_ =	swait.ge [sflag:s28], $0x4000  }
0x36: {  	[sflag:s28] =	ssyncset.done $0x0  }
0x37: {  	[sflag:s28] =	ssyncadd.s32 $0xFFFFC000  }
0x38: {  	[hbm4b:s11+s3] =	stream.linear.scatter [tilespmem:s19], [sflag:$0x9], $0x4000, $0x38;
	[tilespmem:$0x1A400] =	vst v63  }
0x39: {  	_ =	swait.ge [sflag:s29], $0x4000  }
0x3a: {  	[sflag:s29] =	ssyncset.done $0x0  }
0x3b: {  	s18 =	simm.s32 $0x380;
	[sflag:s29] =	ssyncadd.s32 $0xFFFFC000  }
0x3c: {  	[tilespmem:s17], [sflag:$0x3] =	stream.indirect.gather [hbm4b:s2+s13], $0x80, s18, s13, $0xb8;
	[tilespmem:$0x1A400] =	vst v63  }
0x3d: {  	_ =	swait.ge [sflag:s30], $0x4000  }
0x3e: {  	[sflag:s30] =	ssyncset.done $0x0  }
0x3f: {  	s21 =	sadd.s32 $0x800, s11;
	[sflag:s30] =	ssyncadd.s32 $0xFFFFC000  }
0x40: {  	[hbm4b:s21+s3] =	stream.linear.scatter [tilespmem:s22], [sflag:$0xA], $0x4000, $0x38;
	[tilespmem:$0x1A400] =	vst v63  }
0x41: {  	_ =	swait.ge [sflag:s31], $0x4000  }
0x42: {  	[sflag:s31] =	ssyncset.done $0x0  }
0x43: {  	s4 =	simm.s32 $0x400;
	[sflag:s31] =	ssyncadd.s32 $0xFFFFC000  }
0x44: {  	[tilespmem:s19], [sflag:$0x4] =	stream.indirect.gather [hbm4b:s2+s13], $0x80, s4, s13, $0xb8;
	[tilespmem:$0x1A400] =	vst v63  }
0x45: {  	_ =	swait.ge [sflag:s20], $0x4000  }
0x46: {  	[sflag:s20] =	ssyncset.done $0x0  }
0x47: {  	s18 =	sadd.s32 $0x1000, s11;
	[sflag:s20] =	ssyncadd.s32 $0xFFFFC000  }
0x48: {  	[hbm4b:s18+s3] =	stream.linear.scatter [tilespmem:s14], [sflag:$0x6], $0x4000, $0x38;
	[tilespmem:$0x1A400] =	vst v63  }
0x49: {  	_ =	swait.ge [sflag:s1], $0x4000  }
0x4a: {  	[sflag:s1] =	ssyncset.done $0x0  }
0x4b: {  	s21 =	simm.s32 $0x480;
	[sflag:s1] =	ssyncadd.s32 $0xFFFFC000  }
0x4c: {  	[tilespmem:s22], [sflag:$0x5] =	stream.indirect.gather [hbm4b:s2+s13], $0x80, s21, s13, $0xb8;
	[tilespmem:$0x1A400] =	vst v63  }
0x4d: {  	_ =	swait.ge [sflag:s23], $0x4000  }
0x4e: {  	s16 =	simm.s32 $0xA00;
	[sflag:s23] =	ssyncset.done $0x0  }
0x4f: {  	s18 =	sadd.s32 $0x2800, s11;
	s21 =	sadd.s32 $0x1800, s11;
	[sflag:s23] =	ssyncadd.s32 $0xFFFFC000  }
.LBB2_2:
0x50: {  	[hbm4b:s21+s3] =	stream.linear.scatter [tilespmem:s15], [sflag:$0x7], $0x4000, $0x38;
	[tilespmem:$0x1A400] =	vst v63  }
0x51: {  	s21 =	smov.u32 s16  }
0x52: {  	p0 =	sne.s32 s16, $0x17C00;
	s16 =	sadd.s32 $0xA00, s16;
	_ =	swait.ge [sflag:s24], $0x4000  }
0x53: {  	s21 =	sshra.s32 s21, $0x2;
	[sflag:s24] =	ssyncset.done $0x0  }
0x54: {  	s4 =	sadd.s32 $0x280, s21;
	[sflag:s24] =	ssyncadd.s32 $0xFFFFC000  }
0x55: {  	[tilespmem:s14], [sflag:$0x1] =	stream.indirect.gather [hbm4b:s2+s13], $0x80, s4, s13, $0xb8;
	[tilespmem:$0x1A400] =	vst v63  }
0x56: {  	_ =	swait.ge [sflag:s25], $0x4000  }
0x57: {  	[sflag:s25] =	ssyncset.done $0x0  }
0x58: {  	s4 =	sadd.s32 $0xFFFFF800, s18;
	[sflag:s25] =	ssyncadd.s32 $0xFFFFC000  }
0x59: {  	[hbm4b:s4+s3] =	stream.linear.scatter [tilespmem:s17], [sflag:$0x8], $0x4000, $0x38;
	[tilespmem:$0x1A400] =	vst v63  }
0x5a: {  	_ =	swait.ge [sflag:s26], $0x4000  }
0x5b: {  	[sflag:s26] =	ssyncset.done $0x0  }
0x5c: {  	s4 =	sadd.s32 $0x300, s21;
	[sflag:s26] =	ssyncadd.s32 $0xFFFFC000  }
0x5d: {  	[tilespmem:s15], [sflag:$0x2] =	stream.indirect.gather [hbm4b:s2+s13], $0x80, s4, s13, $0xb8;
	[tilespmem:$0x1A400] =	vst v63  }
0x5e: {  	_ =	swait.ge [sflag:s28], $0x4000  }
0x5f: {  	[sflag:s28] =	ssyncset.done $0x0  }
0x60: {  	[sflag:s28] =	ssyncadd.s32 $0xFFFFC000  }
0x61: {  	[hbm4b:s18+s3] =	stream.linear.scatter [tilespmem:s19], [sflag:$0x9], $0x4000, $0x38;
	[tilespmem:$0x1A400] =	vst v63  }
0x62: {  	_ =	swait.ge [sflag:s29], $0x4000  }
0x63: {  	[sflag:s29] =	ssyncset.done $0x0  }
0x64: {  	s4 =	sadd.s32 $0x380, s21;
	[sflag:s29] =	ssyncadd.s32 $0xFFFFC000  }
0x65: {  	[tilespmem:s17], [sflag:$0x3] =	stream.indirect.gather [hbm4b:s2+s13], $0x80, s4, s13, $0xb8;
	[tilespmem:$0x1A400] =	vst v63  }
0x66: {  	_ =	swait.ge [sflag:s30], $0x4000  }
0x67: {  	[sflag:s30] =	ssyncset.done $0x0  }
0x68: {  	s4 =	sadd.s32 $0x800, s18;
	[sflag:s30] =	ssyncadd.s32 $0xFFFFC000  }
0x69: {  	[hbm4b:s4+s3] =	stream.linear.scatter [tilespmem:s22], [sflag:$0xA], $0x4000, $0x38;
	[tilespmem:$0x1A400] =	vst v63  }
0x6a: {  	_ =	swait.ge [sflag:s31], $0x4000  }
0x6b: {  	[sflag:s31] =	ssyncset.done $0x0  }
0x6c: {  	s4 =	sadd.s32 $0x400, s21;
	[sflag:s31] =	ssyncadd.s32 $0xFFFFC000  }
0x6d: {  	[tilespmem:s19], [sflag:$0x4] =	stream.indirect.gather [hbm4b:s2+s13], $0x80, s4, s13, $0xb8;
	[tilespmem:$0x1A400] =	vst v63  }
0x6e: {  	_ =	swait.ge [sflag:s20], $0x4000  }
0x6f: {  	[sflag:s20] =	ssyncset.done $0x0  }
0x70: {  	s4 =	sadd.s32 $0x1000, s18;
	[sflag:s20] =	ssyncadd.s32 $0xFFFFC000  }
0x71: {  	[hbm4b:s4+s3] =	stream.linear.scatter [tilespmem:s14], [sflag:$0x6], $0x4000, $0x38;
	[tilespmem:$0x1A400] =	vst v63  }
0x72: {  	_ =	swait.ge [sflag:s1], $0x4000  }
0x73: {  	[sflag:s1] =	ssyncset.done $0x0  }
.Ltmp0:
0x74: {  	s4 =	sadd.s32 $0x480, s21;
	[sflag:s1] =	ssyncadd.s32 $0xFFFFC000;
	(pc) =	sbr.rel @p0 .LBB2_2-.Ltmp0, $4  }
0x75: {  	[tilespmem:s22], [sflag:$0x5] =	stream.indirect.gather [hbm4b:s2+s13], $0x80, s4, s13, $0xb8;
	[tilespmem:$0x1A400] =	vst v63  }
0x76: {  	_ =	swait.ge [sflag:s23], $0x4000  }
0x77: {  	[sflag:s23] =	ssyncset.done $0x0  }
0x78: {  	s21 =	sadd.s32 $0x1800, s18;
	s18 =	sadd.s32 $0x2800, s18;
	[sflag:s23] =	ssyncadd.s32 $0xFFFFC000  }
0x79: {  	[hbm4b:s21+s3] =	stream.linear.scatter [tilespmem:s15], [sflag:$0x7], $0x4000, $0x38;
	[tilespmem:$0x1A400] =	vst v63  }
0x7a: {  	_ =	swait.ge [sflag:s25], $0x4000  }
0x7b: {  	[sflag:s25] =	ssyncset.done $0x0  }
0x7c: {  	[sflag:s25] =	ssyncadd.s32 $0xFFFFC000  }
0x7d: {  	[hbm4b:s7+s3] =	stream.linear.scatter [tilespmem:s17], [sflag:$0x8], $0x4000, $0x38;
	[tilespmem:$0x1A400] =	vst v63  }
0x7e: {  	_ =	swait.ge [sflag:s28], $0x4000  }
0x7f: {  	[sflag:s28] =	ssyncset.done $0x0  }
0x80: {  	[sflag:s28] =	ssyncadd.s32 $0xFFFFC000  }
0x81: {  	[hbm4b:s8+s3] =	stream.linear.scatter [tilespmem:s19], [sflag:$0x9], $0x4000, $0x38;
	[tilespmem:$0x1A400] =	vst v63  }
0x82: {  	_ =	swait.ge [sflag:s30], $0x4000  }
0x83: {  	[sflag:s30] =	ssyncset.done $0x0  }
0x84: {  	[sflag:s30] =	ssyncadd.s32 $0xFFFFC000  }
0x85: {  	[hbm4b:s9+s3] =	stream.linear.scatter [tilespmem:s22], [sflag:$0xA], $0x4000, $0x38;
	[tilespmem:$0x1A400] =	vst v63  }
0x86: {  	_ =	swait.ge [sflag:s24], $0x4000  }
0x87: {  	[sflag:s24] =	ssyncset.done $0x0  }
0x88: {  	[sflag:s24] =	ssyncadd.s32 $0xFFFFC000  }
0x89: {  	_ =	swait.ge [sflag:s26], $0x4000  }
0x8a: {  	[sflag:s26] =	ssyncset.done $0x0  }
0x8b: {  	[sflag:s26] =	ssyncadd.s32 $0xFFFFC000  }
0x8c: {  	_ =	swait.ge [sflag:s29], $0x4000  }
0x8d: {  	[sflag:s29] =	ssyncset.done $0x0  }
0x8e: {  	s0 =	sadd.s32 $0x1, s0;
	[sflag:s29] =	ssyncadd.s32 $0xFFFFC000  }
0x8f: {  	p0 =	sne.s32 s0, s10;
	_ =	swait.ge [sflag:s31], $0x4000  }
.Ltmp1:
0x90: {  	[sflag:s31] =	ssyncset.done $0x0;
	(pc) =	sbr.rel @p0 .LBB2_1-.Ltmp1, $4  }
0x91: {  	[sflag:s31] =	ssyncadd.s32 $0xFFFFC000  }
0x92: {  	_ =	swait.ge [sflag:s1], $0x4000  }
0x93: {  	[sflag:s1] =	ssyncset.done $0x0  }
0x94: {  	[sflag:s1] =	ssyncadd.s32 $0xFFFFC000  }
0x95: {  	_ =	sfence.sel $0x180000  }
0x96: {  	[bflag:$0x0] =	sbarrier.arrive $0xFFFF  }
0x97: {  	_ =	strace $0x90000047  }
0x98: {  	s0 =	stileid.u32;
	[bflag:$0x2] =	sbarrier.arrive $0xFFFF  }
0x99: {  	p0 =	sne.s32 s0, $0x0;
	s0 =	rddreg [dreg:$0x3]  }
0x9a: {  	s0 =	sadd.s32 @!p0 $0x100000, s0  }
0x9b: {  	[sflag:s0] =	ssyncadd.tile.s32 @!p0 $0x1;
	_ =	shalt  }
.Lfunc_end2:
_tile_overlayer_lowered:
.L_overlay_start_2:
0x9c: {  	(tag) =	ssettag $0x2  }
0x9d: {  	s0 =	rddreg [dreg:$0x0];
	s2 =	stileid.u32  }
0x9e: {  	s1 =	rddreg [dreg:$0x1];
	p0 =	sne.s32 s2, $0x0  }
0x9f: {  	s3 =	rddreg [dreg:$0x2];
	[bflag:$0x3] =	sbarrier.arrive $0xFFFF;
	s2 =	simm.s32 @!p0 $0x1C0B  }
0xa0: {  	[timem:s3], [sflag:s2] =	dma.local @!p0 [hbm:s0], s1  }
0xa1: {  	s0 =	simm.s32 @!p0 $0xB  }
0xa2: {  	_ =	swait.ge @!p0 [sflag:s0], s1  }
0xa3: {  	s1 =	ssub.s32 @!p0 $0x0, s1;
	[sflag:s0] =	ssyncset.done @!p0 $0x0  }
0xa4: {  	[sflag:s0] =	ssyncadd.s32 @!p0 s1  }
0xa5: {  	[bflag:$0x3] =	sbarrier.arrive $0xFFFF  }
0xa6: {  	_ =	shalt  }

</sc_bundles>
